<compile_context>
chip_gen: v7x
topology: tpu7x:2x2x1
jax: 0.10.2.dev20260603
libtpu: 0.0.44.dev20260713+nightly
codegen_flags: <defaults>
</compile_context>

<pallas_src>
import functools

import jax
import jax.numpy as jnp
from jax import lax
from jax.experimental import pallas as pl
from jax.experimental.pallas import tpu as pltpu
from jax.experimental.pallas import tpu_sc as plsc

N = 10000
E = 160000
D_IN = 256
D_OUT = 512
DH = 128

NC = 2
NS = 16
CHUNK = 64
NBUF = 4
CPT = 160
G = CPT // NBUF
E_PAD = NS * CPT * CHUNK
EPT = CPT * CHUNK
AGG_ROWS = N + 240
ZSLAB = AGG_ROWS // NS
COPY_ROWS = 632


def _sc_aggregate(x2, srcl, dstl):
  mesh = plsc.VectorSubcoreMesh(core_axis_name="c", subcore_axis_name="s")

  @functools.partial(
      pl.kernel,
      out_type=(
          jax.ShapeDtypeStruct((2 * N, DH), jnp.float32),
          jax.ShapeDtypeStruct((N,), jnp.float32),
      ),
      mesh=mesh,
      scratch_types=[
          pltpu.VMEM_SHARED((AGG_ROWS, DH), jnp.float32),
          pltpu.VMEM_SHARED((AGG_ROWS,), jnp.float32),
          [pltpu.VMEM((NBUF * CHUNK,), jnp.int32)] * 2,
          [pltpu.VMEM((CHUNK,), jnp.int32)] * (2 * NBUF),
          [pltpu.VMEM((CHUNK, DH), jnp.float32)] * NBUF,
          pltpu.VMEM((CHUNK,), jnp.float32),
          pltpu.VMEM((ZSLAB,), jnp.float32),
          [pltpu.SemaphoreType.DMA] * NBUF,
          [pltpu.SemaphoreType.DMA] * NBUF,
          [pltpu.SemaphoreType.DMA] * 2,
          pltpu.SemaphoreType.DMA,
      ],
  )
  def k(x2_hbm, src_hbm, dst_hbm, agg2_hbm, deg_hbm,
        agg_sh, deg_sh, sbufs, dbufs, gbufs, ones_v, zrow,
        gsems, ssems, isems, dsem):
    c = lax.axis_index("c")
    s = lax.axis_index("s")
    gbuf = gbufs[0]

    def zero_gbuf_row(i, _):
      for kk in range(DH // 16):
        gbuf[i, pl.ds(kk * 16, 16)] = jnp.zeros((16,), jnp.float32)
      return _
    lax.fori_loop(0, CHUNK, zero_gbuf_row, None)
    for kk in range(ZSLAB // 16):
      zrow[pl.ds(kk * 16, 16)] = jnp.zeros((16,), jnp.float32)
    for kk in range(CHUNK // 16):
      ones_v[pl.ds(kk * 16, 16)] = jnp.ones((16,), jnp.float32)

    def zero_slab(j, _):
      pltpu.sync_copy(gbuf, agg_sh.at[pl.ds(s * ZSLAB + j * CHUNK, CHUNK)])
      return _
    lax.fori_loop(0, ZSLAB // CHUNK, zero_slab, None)
    pltpu.sync_copy(zrow, deg_sh.at[pl.ds(s * ZSLAB, ZSLAB)])

    plsc.subcore_barrier()

    def prefetch_idx(g, p):
      base = s * EPT + g * (NBUF * CHUNK)
      pltpu.async_copy(src_hbm.at[pl.ds(c * E_PAD + base, NBUF * CHUNK)],
                       sbufs[p], isems[p])
      for b in range(NBUF):
        pltpu.async_copy(dst_hbm.at[pl.ds(base + b * CHUNK, CHUNK)],
                         dbufs[p * NBUF + b], isems[p])

    def wait_idx(p):
      pltpu.make_async_copy(src_hbm.at[pl.ds(0, NBUF * CHUNK)],
                            sbufs[p], isems[p]).wait()
      for b in range(NBUF):
        pltpu.make_async_copy(dst_hbm.at[pl.ds(0, CHUNK)],
                              dbufs[p * NBUF + b], isems[p]).wait()

    def start_gather(p, b):
      pltpu.async_copy(x2_hbm.at[sbufs[p].at[pl.ds(b * CHUNK, CHUNK)]],
                       gbufs[b], gsems[b])

    def wait_gather(b):
      pltpu.make_async_copy(x2_hbm.at[sbufs[0].at[pl.ds(0, CHUNK)]],
                            gbufs[b], gsems[b]).wait()

    def start_scatter(p, b):
      pltpu.async_copy(gbufs[b], agg_sh.at[dbufs[p * NBUF + b]], ssems[b],
                       add=True)

    def wait_scatter(b):
      pltpu.make_async_copy(gbufs[b], agg_sh.at[dbufs[0]], ssems[b]).wait()

    prefetch_idx(0, 0)
    wait_idx(0)
    prefetch_idx(1, 1)
    for b in range(NBUF):
      start_gather(0, b)

    def pair(g2, _):
      for p in (0, 1):
        g = g2 * 2 + p
        for b in range(NBUF):
          wait_gather(b)
          start_scatter(p, b)

        @pl.when(c == 0)
        def _():
          for b in range(NBUF):
            pltpu.async_copy(ones_v, deg_sh.at[dbufs[p * NBUF + b]], dsem,
                             add=True)

        @pl.when(g + 1 < G)
        def _():
          wait_idx(1 - p)
          for b in range(NBUF):
            wait_scatter(b)
            start_gather(1 - p, b)

        @pl.when(c == 0)
        def _():
          for b in range(NBUF):
            pltpu.make_async_copy(ones_v, deg_sh.at[dbufs[0]], dsem).wait()

        @pl.when(g + 2 < G)
        def _():
          prefetch_idx(g + 2, p)
      return _
    lax.fori_loop(0, G // 2, pair, None)
    for b in range(NBUF):
      wait_scatter(b)

    plsc.subcore_barrier()

    @pl.when(s < NS - 1)
    def _():
      pltpu.sync_copy(agg_sh.at[pl.ds(s * COPY_ROWS, COPY_ROWS)],
                      agg2_hbm.at[pl.ds(c * N + s * COPY_ROWS, COPY_ROWS)])

      @pl.when(c == 0)
      def _():
        pltpu.sync_copy(deg_sh.at[pl.ds(s * COPY_ROWS, COPY_ROWS)],
                        zrow.at[pl.ds(0, COPY_ROWS)])
        pltpu.sync_copy(zrow.at[pl.ds(0, COPY_ROWS)],
                        deg_hbm.at[pl.ds(s * COPY_ROWS, COPY_ROWS)])

    @pl.when(s == NS - 1)
    def _():
      tail = N - (NS - 1) * COPY_ROWS
      pltpu.sync_copy(agg_sh.at[pl.ds((NS - 1) * COPY_ROWS, tail)],
                      agg2_hbm.at[pl.ds(c * N + (NS - 1) * COPY_ROWS, tail)])

      @pl.when(c == 0)
      def _():
        pltpu.sync_copy(deg_sh.at[pl.ds((NS - 1) * COPY_ROWS, tail)],
                        zrow.at[pl.ds(0, tail)])
        pltpu.sync_copy(zrow.at[pl.ds(0, tail)],
                        deg_hbm.at[pl.ds((NS - 1) * COPY_ROWS, tail)])

  return k(x2, srcl, dstl)


def _tc_body(x_ref, lo_ref, hi_ref, deg_ref, ws_ref, wn_ref, b_ref, out_ref):
  scale = 1.0 / jnp.maximum(deg_ref[...], 1.0)
  h = jnp.concatenate([lo_ref[...] * scale, hi_ref[...] * scale], axis=1)
  out = jnp.dot(x_ref[...], ws_ref[...], preferred_element_type=jnp.float32)
  out += jnp.dot(h, wn_ref[...], preferred_element_type=jnp.float32)
  out_ref[...] = out + b_ref[...]


def _tc_combine(in_feat, agg2, degc, W_self, W_neigh, b2):
  R = 1000
  grid = (N // R,)
  return pl.pallas_call(
      _tc_body,
      grid=grid,
      in_specs=[
          pl.BlockSpec((R, D_IN), lambda i: (i, 0)),
          pl.BlockSpec((R, DH), lambda i: (i, 0)),
          pl.BlockSpec((R, DH), lambda i: (i + N // R, 0)),
          pl.BlockSpec((R, 1), lambda i: (i, 0)),
          pl.BlockSpec((D_IN, D_OUT), lambda i: (0, 0)),
          pl.BlockSpec((D_IN, D_OUT), lambda i: (0, 0)),
          pl.BlockSpec((1, D_OUT), lambda i: (0, 0)),
      ],
      out_specs=pl.BlockSpec((R, D_OUT), lambda i: (i, 0)),
      out_shape=jax.ShapeDtypeStruct((N, D_OUT), jnp.float32),
  )(in_feat, agg2, agg2, degc, W_self, W_neigh, b2)


def kernel(in_feat, edge_index, W_self, W_neigh, b):
  src = edge_index[0]
  dst = edge_index[1]
  npad = E_PAD - E

  x2 = jnp.concatenate(
      [in_feat[:, :DH], in_feat[:, DH:], jnp.zeros((8, DH), jnp.float32)], axis=0)

  pad_src = jnp.full((npad,), 2 * N, jnp.int32)
  srcl = jnp.concatenate([src, pad_src, src + N, pad_src])
  dstl = jnp.concatenate([dst, jnp.full((npad,), N, jnp.int32)])

  agg2, deg = _sc_aggregate(x2, srcl, dstl)
  degc = deg.reshape(N, 1)
  b2 = b.reshape(1, D_OUT)
  return _tc_combine(in_feat, agg2, degc, W_self, W_neigh, b2)

# --- scband reference (transcript-rebuilt; emitter-appended) ---
"""Pipeline reference for scband-graph-sage-49254684950921 (READ-ONLY COPY).

The authoritative reference and input builder live on the scoring server;
editing this copy changes nothing except your own understanding.
"""

import jax, jax.numpy as jnp
import numpy as np

N = 10000
E = 160000
D_IN = 256
D_OUT = 512


def setup_inputs(seed: int = 0) -> dict:
    key = jax.random.key(seed)
    k1, k2, k3, k4, k5 = jax.random.split(key, 5)
    in_feat = jax.random.normal(k1, (N, D_IN), dtype=jnp.float32)
    edge_index = jax.random.randint(k2, (2, E), 0, N, dtype=jnp.int32)
    # SAGEConv('mean') parameters: fc_self and fc_neigh (both in_feats -> h_feats) plus bias
    W_self = jax.random.normal(k3, (D_IN, D_OUT), dtype=jnp.float32) * (1.0 / np.sqrt(D_IN))
    W_neigh = jax.random.normal(k4, (D_IN, D_OUT), dtype=jnp.float32) * (1.0 / np.sqrt(D_IN))
    b = jnp.zeros((D_OUT,), dtype=jnp.float32)
    return {"in_feat": in_feat, "edge_index": edge_index, "W_self": W_self, "W_neigh": W_neigh, "b": b}


def reference(in_feat, edge_index, W_self, W_neigh, b):
    # DGL SAGEConv with 'mean' aggregator:
    #   h_neigh = fc_neigh(mean_{u in N(v)} x_u)
    #   out     = fc_self(x_v) + h_neigh + bias
    src = edge_index[0]
    dst = edge_index[1]
    msg = jnp.take(in_feat, src, axis=0)                                   # gather over edges
    agg = jax.ops.segment_sum(msg, dst, num_segments=N)                     # scatter-add by dst
    deg = jax.ops.segment_sum(jnp.ones((E,), dtype=in_feat.dtype), dst, num_segments=N)
    h_neigh = agg / jnp.maximum(deg, 1.0)[:, None]                          # zero in-degree -> 0
    out = in_feat @ W_self + h_neigh @ W_neigh + b
    return out

if __name__ == "__main__":
    import jax
    _d = setup_inputs()
    print(jax.jit(kernel)(*tuple(_d.values())))

</pallas_src>

<mosaic_0001>
#map = affine_map<(d0, d1) -> (0, 0)>
#map1 = affine_map<(d0, d1) -> (0)>
module attributes {stable_mosaic.version = 14 : i64} {
  func.func @k(%arg0: i32, %arg1: i32, %arg2: memref<20008x128xf32, #tpu.memory_space<hbm>>, %arg3: memref<327680xi32, #tpu.memory_space<hbm>>, %arg4: memref<163840xi32, #tpu.memory_space<hbm>>, %arg5: memref<20000x128xf32, #tpu.memory_space<hbm>>, %arg6: memref<10000xf32, #tpu.memory_space<hbm>>, %arg7: memref<10240x128xf32, #tpu.memory_space<vmem_shared>>, %arg8: memref<10240xf32, #tpu.memory_space<vmem_shared>>, %arg9: memref<256xi32, #tpu.memory_space<vmem>>, %arg10: memref<256xi32, #tpu.memory_space<vmem>>, %arg11: memref<64xi32, #tpu.memory_space<vmem>>, %arg12: memref<64xi32, #tpu.memory_space<vmem>>, %arg13: memref<64xi32, #tpu.memory_space<vmem>>, %arg14: memref<64xi32, #tpu.memory_space<vmem>>, %arg15: memref<64xi32, #tpu.memory_space<vmem>>, %arg16: memref<64xi32, #tpu.memory_space<vmem>>, %arg17: memref<64xi32, #tpu.memory_space<vmem>>, %arg18: memref<64xi32, #tpu.memory_space<vmem>>, %arg19: memref<64x128xf32, #tpu.memory_space<vmem>>, %arg20: memref<64x128xf32, #tpu.memory_space<vmem>>, %arg21: memref<64x128xf32, #tpu.memory_space<vmem>>, %arg22: memref<64x128xf32, #tpu.memory_space<vmem>>, %arg23: memref<64xf32, #tpu.memory_space<vmem>>, %arg24: memref<640xf32, #tpu.memory_space<vmem>>, %arg25: memref<!tpu.dma_semaphore, #tpu.memory_space<semaphore_mem>>, %arg26: memref<!tpu.dma_semaphore, #tpu.memory_space<semaphore_mem>>, %arg27: memref<!tpu.dma_semaphore, #tpu.memory_space<semaphore_mem>>, %arg28: memref<!tpu.dma_semaphore, #tpu.memory_space<semaphore_mem>>, %arg29: memref<!tpu.dma_semaphore, #tpu.memory_space<semaphore_mem>>, %arg30: memref<!tpu.dma_semaphore, #tpu.memory_space<semaphore_mem>>, %arg31: memref<!tpu.dma_semaphore, #tpu.memory_space<semaphore_mem>>, %arg32: memref<!tpu.dma_semaphore, #tpu.memory_space<semaphore_mem>>, %arg33: memref<!tpu.dma_semaphore, #tpu.memory_space<semaphore_mem>>, %arg34: memref<!tpu.dma_semaphore, #tpu.memory_space<semaphore_mem>>, %arg35: memref<!tpu.dma_semaphore, #tpu.memory_space<semaphore_mem>>) attributes {dimension_semantics = [#tpu.dimension_semantics<core_parallel>, #tpu.dimension_semantics<subcore_parallel>], iteration_bounds = array<i64: 2, 16>, scalar_prefetch = 0 : i64, scratch_operands = 29 : i64, tpu.core_type = #tpu.core_type<sc_vector_subcore>, window_params = [{transform_indices = #map}, {transform_indices = #map1}, {transform_indices = #map1}, {transform_indices = #map}, {transform_indices = #map1}]} {
    %scan3A = arith.constant 0 : i32
    %scan3A_0 = arith.constant 64 : i32
    %scan3A_1 = arith.addi %scan3A, %scan3A_0 : i32
    %scan3A_2 = arith.constant 1 : i32
    scf.for %scan3A_383 = %scan3A to %scan3A_1 step %scan3A_2  : i32 {
      %broadcast_in_dim3A_384 = arith.constant 0.000000e+00 : f32
      %broadcast_in_dim3A_385 = vector.broadcast %broadcast_in_dim3A_384 : f32 to vector<16xf32>
      %swap3A_386 = arith.index_cast %scan3A_383 : i32 to index
      %swap3A_387 = arith.constant 0 : index
      %swap3A_388 = tpu.vector_load %arg19[%swap3A_386, %swap3A_387] {strides = array<i32>} : memref<64x128xf32, #tpu.memory_space<vmem>>, vector<1x16xf32>,
      %swap3A_389 = vector.shape_cast %swap3A_388 : vector<1x16xf32> to vector<16xf32>
      %swap3A_390 = vector.shape_cast %broadcast_in_dim3A_385 : vector<16xf32> to vector<1x16xf32>
      tpu.vector_store %arg19[%swap3A_386, %swap3A_387], %swap3A_390 {strides = array<i32>} : memref<64x128xf32, #tpu.memory_space<vmem>>, vector<1x16xf32>,
      %broadcast_in_dim3A_391 = arith.constant 0.000000e+00 : f32
      %broadcast_in_dim3A_392 = vector.broadcast %broadcast_in_dim3A_391 : f32 to vector<16xf32>
      %swap3A_393 = arith.index_cast %scan3A_383 : i32 to index
      %swap3A_394 = arith.constant 16 : index
      %swap3A_395 = tpu.vector_load %arg19[%swap3A_393, %swap3A_394] {strides = array<i32>} : memref<64x128xf32, #tpu.memory_space<vmem>>, vector<1x16xf32>,
      %swap3A_396 = vector.shape_cast %swap3A_395 : vector<1x16xf32> to vector<16xf32>
      %swap3A_397 = vector.shape_cast %broadcast_in_dim3A_392 : vector<16xf32> to vector<1x16xf32>
      tpu.vector_store %arg19[%swap3A_393, %swap3A_394], %swap3A_397 {strides = array<i32>} : memref<64x128xf32, #tpu.memory_space<vmem>>, vector<1x16xf32>,
      %broadcast_in_dim3A_398 = arith.constant 0.000000e+00 : f32
      %broadcast_in_dim3A_399 = vector.broadcast %broadcast_in_dim3A_398 : f32 to vector<16xf32>
      %swap3A_400 = arith.index_cast %scan3A_383 : i32 to index
      %swap3A_401 = arith.constant 32 : index
      %swap3A_402 = tpu.vector_load %arg19[%swap3A_400, %swap3A_401] {strides = array<i32>} : memref<64x128xf32, #tpu.memory_space<vmem>>, vector<1x16xf32>,
      %swap3A_403 = vector.shape_cast %swap3A_402 : vector<1x16xf32> to vector<16xf32>
      %swap3A_404 = vector.shape_cast %broadcast_in_dim3A_399 : vector<16xf32> to vector<1x16xf32>
      tpu.vector_store %arg19[%swap3A_400, %swap3A_401], %swap3A_404 {strides = array<i32>} : memref<64x128xf32, #tpu.memory_space<vmem>>, vector<1x16xf32>,
      %broadcast_in_dim3A_405 = arith.constant 0.000000e+00 : f32
      %broadcast_in_dim3A_406 = vector.broadcast %broadcast_in_dim3A_405 : f32 to vector<16xf32>
      %swap3A_407 = arith.index_cast %scan3A_383 : i32 to index
      %swap3A_408 = arith.constant 48 : index
      %swap3A_409 = tpu.vector_load %arg19[%swap3A_407, %swap3A_408] {strides = array<i32>} : memref<64x128xf32, #tpu.memory_space<vmem>>, vector<1x16xf32>,
      %swap3A_410 = vector.shape_cast %swap3A_409 : vector<1x16xf32> to vector<16xf32>
      %swap3A_411 = vector.shape_cast %broadcast_in_dim3A_406 : vector<16xf32> to vector<1x16xf32>
      tpu.vector_store %arg19[%swap3A_407, %swap3A_408], %swap3A_411 {strides = array<i32>} : memref<64x128xf32, #tpu.memory_space<vmem>>, vector<1x16xf32>,
      %broadcast_in_dim3A_412 = arith.constant 0.000000e+00 : f32
      %broadcast_in_dim3A_413 = vector.broadcast %broadcast_in_dim3A_412 : f32 to vector<16xf32>
      %swap3A_414 = arith.index_cast %scan3A_383 : i32 to index
      %swap3A_415 = arith.constant 64 : index
      %swap3A_416 = tpu.vector_load %arg19[%swap3A_414, %swap3A_415] {strides = array<i32>} : memref<64x128xf32, #tpu.memory_space<vmem>>, vector<1x16xf32>,
      %swap3A_417 = vector.shape_cast %swap3A_416 : vector<1x16xf32> to vector<16xf32>
      %swap3A_418 = vector.shape_cast %broadcast_in_dim3A_413 : vector<16xf32> to vector<1x16xf32>
      tpu.vector_store %arg19[%swap3A_414, %swap3A_415], %swap3A_418 {strides = array<i32>} : memref<64x128xf32, #tpu.memory_space<vmem>>, vector<1x16xf32>,
      %broadcast_in_dim3A_419 = arith.constant 0.000000e+00 : f32
      %broadcast_in_dim3A_420 = vector.broadcast %broadcast_in_dim3A_419 : f32 to vector<16xf32>
      %swap3A_421 = arith.index_cast %scan3A_383 : i32 to index
      %swap3A_422 = arith.constant 80 : index
      %swap3A_423 = tpu.vector_load %arg19[%swap3A_421, %swap3A_422] {strides = array<i32>} : memref<64x128xf32, #tpu.memory_space<vmem>>, vector<1x16xf32>,
      %swap3A_424 = vector.shape_cast %swap3A_423 : vector<1x16xf32> to vector<16xf32>
      %swap3A_425 = vector.shape_cast %broadcast_in_dim3A_420 : vector<16xf32> to vector<1x16xf32>
      tpu.vector_store %arg19[%swap3A_421, %swap3A_422], %swap3A_425 {strides = array<i32>} : memref<64x128xf32, #tpu.memory_space<vmem>>, vector<1x16xf32>,
      %broadcast_in_dim3A_426 = arith.constant 0.000000e+00 : f32
      %broadcast_in_dim3A_427 = vector.broadcast %broadcast_in_dim3A_426 : f32 to vector<16xf32>
      %swap3A_428 = arith.index_cast %scan3A_383 : i32 to index
      %swap3A_429 = arith.constant 96 : index
      %swap3A_430 = tpu.vector_load %arg19[%swap3A_428, %swap3A_429] {strides = array<i32>} : memref<64x128xf32, #tpu.memory_space<vmem>>, vector<1x16xf32>,
      %swap3A_431 = vector.shape_cast %swap3A_430 : vector<1x16xf32> to vector<16xf32>
      %swap3A_432 = vector.shape_cast %broadcast_in_dim3A_427 : vector<16xf32> to vector<1x16xf32>
      tpu.vector_store %arg19[%swap3A_428, %swap3A_429], %swap3A_432 {strides = array<i32>} : memref<64x128xf32, #tpu.memory_space<vmem>>, vector<1x16xf32>,
      %broadcast_in_dim3A_433 = arith.constant 0.000000e+00 : f32
      %broadcast_in_dim3A_434 = vector.broadcast %broadcast_in_dim3A_433 : f32 to vector<16xf32>
      %swap3A_435 = arith.index_cast %scan3A_383 : i32 to index
      %swap3A_436 = arith.constant 112 : index
      %swap3A_437 = tpu.vector_load %arg19[%swap3A_435, %swap3A_436] {strides = array<i32>} : memref<64x128xf32, #tpu.memory_space<vmem>>, vector<1x16xf32>,
      %swap3A_438 = vector.shape_cast %swap3A_437 : vector<1x16xf32> to vector<16xf32>
      %swap3A_439 = vector.shape_cast %broadcast_in_dim3A_434 : vector<16xf32> to vector<1x16xf32>
      tpu.vector_store %arg19[%swap3A_435, %swap3A_436], %swap3A_439 {strides = array<i32>} : memref<64x128xf32, #tpu.memory_space<vmem>>, vector<1x16xf32>,
    }
    %scan3A_3 = arith.constant 64 : i32
    %broadcast_in_dim3A = arith.constant 0.000000e+00 : f32
    %broadcast_in_dim3A_4 = vector.broadcast %broadcast_in_dim3A : f32 to vector<16xf32>
    %swap3A = arith.constant 0 : index
    %swap3A_5 = tpu.vector_load %arg24[%swap3A] {strides = array<i32>} : memref<640xf32, #tpu.memory_space<vmem>>, vector<16xf32>,
    %swap3A_6 = vector.shape_cast %swap3A_5 : vector<16xf32> to vector<16xf32>
    %swap3A_7 = vector.shape_cast %broadcast_in_dim3A_4 : vector<16xf32> to vector<16xf32>
    tpu.vector_store %arg24[%swap3A], %swap3A_7 {strides = array<i32>} : memref<640xf32, #tpu.memory_space<vmem>>, vector<16xf32>,
    %broadcast_in_dim3A_8 = arith.constant 0.000000e+00 : f32
    %broadcast_in_dim3A_9 = vector.broadcast %broadcast_in_dim3A_8 : f32 to vector<16xf32>
    %swap3A_10 = arith.constant 16 : index
    %swap3A_11 = tpu.vector_load %arg24[%swap3A_10] {strides = array<i32>} : memref<640xf32, #tpu.memory_space<vmem>>, vector<16xf32>,
    %swap3A_12 = vector.shape_cast %swap3A_11 : vector<16xf32> to vector<16xf32>
    %swap3A_13 = vector.shape_cast %broadcast_in_dim3A_9 : vector<16xf32> to vector<16xf32>
    tpu.vector_store %arg24[%swap3A_10], %swap3A_13 {strides = array<i32>} : memref<640xf32, #tpu.memory_space<vmem>>, vector<16xf32>,
    %broadcast_in_dim3A_14 = arith.constant 0.000000e+00 : f32
    %broadcast_in_dim3A_15 = vector.broadcast %broadcast_in_dim3A_14 : f32 to vector<16xf32>
    %swap3A_16 = arith.constant 32 : index
    %swap3A_17 = tpu.vector_load %arg24[%swap3A_16] {strides = array<i32>} : memref<640xf32, #tpu.memory_space<vmem>>, vector<16xf32>,
    %swap3A_18 = vector.shape_cast %swap3A_17 : vector<16xf32> to vector<16xf32>
    %swap3A_19 = vector.shape_cast %broadcast_in_dim3A_15 : vector<16xf32> to vector<16xf32>
    tpu.vector_store %arg24[%swap3A_16], %swap3A_19 {strides = array<i32>} : memref<640xf32, #tpu.memory_space<vmem>>, vector<16xf32>,
    %broadcast_in_dim3A_20 = arith.constant 0.000000e+00 : f32
    %broadcast_in_dim3A_21 = vector.broadcast %broadcast_in_dim3A_20 : f32 to vector<16xf32>
    %swap3A_22 = arith.constant 48 : index
    %swap3A_23 = tpu.vector_load %arg24[%swap3A_22] {strides = array<i32>} : memref<640xf32, #tpu.memory_space<vmem>>, vector<16xf32>,
    %swap3A_24 = vector.shape_cast %swap3A_23 : vector<16xf32> to vector<16xf32>
    %swap3A_25 = vector.shape_cast %broadcast_in_dim3A_21 : vector<16xf32> to vector<16xf32>
    tpu.vector_store %arg24[%swap3A_22], %swap3A_25 {strides = array<i32>} : memref<640xf32, #tpu.memory_space<vmem>>, vector<16xf32>,
    %broadcast_in_dim3A_26 = arith.constant 0.000000e+00 : f32
    %broadcast_in_dim3A_27 = vector.broadcast %broadcast_in_dim3A_26 : f32 to vector<16xf32>
    %swap3A_28 = arith.constant 64 : index
    %swap3A_29 = tpu.vector_load %arg24[%swap3A_28] {strides = array<i32>} : memref<640xf32, #tpu.memory_space<vmem>>, vector<16xf32>,
    %swap3A_30 = vector.shape_cast %swap3A_29 : vector<16xf32> to vector<16xf32>
    %swap3A_31 = vector.shape_cast %broadcast_in_dim3A_27 : vector<16xf32> to vector<16xf32>
    tpu.vector_store %arg24[%swap3A_28], %swap3A_31 {strides = array<i32>} : memref<640xf32, #tpu.memory_space<vmem>>, vector<16xf32>,
    %broadcast_in_dim3A_32 = arith.constant 0.000000e+00 : f32
    %broadcast_in_dim3A_33 = vector.broadcast %broadcast_in_dim3A_32 : f32 to vector<16xf32>
    %swap3A_34 = arith.constant 80 : index
    %swap3A_35 = tpu.vector_load %arg24[%swap3A_34] {strides = array<i32>} : memref<640xf32, #tpu.memory_space<vmem>>, vector<16xf32>,
    %swap3A_36 = vector.shape_cast %swap3A_35 : vector<16xf32> to vector<16xf32>
    %swap3A_37 = vector.shape_cast %broadcast_in_dim3A_33 : vector<16xf32> to vector<16xf32>
    tpu.vector_store %arg24[%swap3A_34], %swap3A_37 {strides = array<i32>} : memref<640xf32, #tpu.memory_space<vmem>>, vector<16xf32>,
    %broadcast_in_dim3A_38 = arith.constant 0.000000e+00 : f32
    %broadcast_in_dim3A_39 = vector.broadcast %broadcast_in_dim3A_38 : f32 to vector<16xf32>
    %swap3A_40 = arith.constant 96 : index
    %swap3A_41 = tpu.vector_load %arg24[%swap3A_40] {strides = array<i32>} : memref<640xf32, #tpu.memory_space<vmem>>, vector<16xf32>,
    %swap3A_42 = vector.shape_cast %swap3A_41 : vector<16xf32> to vector<16xf32>
    %swap3A_43 = vector.shape_cast %broadcast_in_dim3A_39 : vector<16xf32> to vector<16xf32>
    tpu.vector_store %arg24[%swap3A_40], %swap3A_43 {strides = array<i32>} : memref<640xf32, #tpu.memory_space<vmem>>, vector<16xf32>,
    %broadcast_in_dim3A_44 = arith.constant 0.000000e+00 : f32
    %broadcast_in_dim3A_45 = vector.broadcast %broadcast_in_dim3A_44 : f32 to vector<16xf32>
    %swap3A_46 = arith.constant 112 : index
    %swap3A_47 = tpu.vector_load %arg24[%swap3A_46] {strides = array<i32>} : memref<640xf32, #tpu.memory_space<vmem>>, vector<16xf32>,
    %swap3A_48 = vector.shape_cast %swap3A_47 : vector<16xf32> to vector<16xf32>
    %swap3A_49 = vector.shape_cast %broadcast_in_dim3A_45 : vector<16xf32> to vector<16xf32>
    tpu.vector_store %arg24[%swap3A_46], %swap3A_49 {strides = array<i32>} : memref<640xf32, #tpu.memory_space<vmem>>, vector<16xf32>,
    %broadcast_in_dim3A_50 = arith.constant 0.000000e+00 : f32
    %broadcast_in_dim3A_51 = vector.broadcast %broadcast_in_dim3A_50 : f32 to vector<16xf32>
    %swap3A_52 = arith.constant 128 : index
    %swap3A_53 = tpu.vector_load %arg24[%swap3A_52] {strides = array<i32>} : memref<640xf32, #tpu.memory_space<vmem>>, vector<16xf32>,
    %swap3A_54 = vector.shape_cast %swap3A_53 : vector<16xf32> to vector<16xf32>
    %swap3A_55 = vector.shape_cast %broadcast_in_dim3A_51 : vector<16xf32> to vector<16xf32>
    tpu.vector_store %arg24[%swap3A_52], %swap3A_55 {strides = array<i32>} : memref<640xf32, #tpu.memory_space<vmem>>, vector<16xf32>,
    %broadcast_in_dim3A_56 = arith.constant 0.000000e+00 : f32
    %broadcast_in_dim3A_57 = vector.broadcast %broadcast_in_dim3A_56 : f32 to vector<16xf32>
    %swap3A_58 = arith.constant 144 : index
    %swap3A_59 = tpu.vector_load %arg24[%swap3A_58] {strides = array<i32>} : memref<640xf32, #tpu.memory_space<vmem>>, vector<16xf32>,
    %swap3A_60 = vector.shape_cast %swap3A_59 : vector<16xf32> to vector<16xf32>
    %swap3A_61 = vector.shape_cast %broadcast_in_dim3A_57 : vector<16xf32> to vector<16xf32>
    tpu.vector_store %arg24[%swap3A_58], %swap3A_61 {strides = array<i32>} : memref<640xf32, #tpu.memory_space<vmem>>, vector<16xf32>,
    %broadcast_in_dim3A_62 = arith.constant 0.000000e+00 : f32
    %broadcast_in_dim3A_63 = vector.broadcast %broadcast_in_dim3A_62 : f32 to vector<16xf32>
    %swap3A_64 = arith.constant 160 : index
    %swap3A_65 = tpu.vector_load %arg24[%swap3A_64] {strides = array<i32>} : memref<640xf32, #tpu.memory_space<vmem>>, vector<16xf32>,
    %swap3A_66 = vector.shape_cast %swap3A_65 : vector<16xf32> to vector<16xf32>
    %swap3A_67 = vector.shape_cast %broadcast_in_dim3A_63 : vector<16xf32> to vector<16xf32>
    tpu.vector_store %arg24[%swap3A_64], %swap3A_67 {strides = array<i32>} : memref<640xf32, #tpu.memory_space<vmem>>, vector<16xf32>,
    %broadcast_in_dim3A_68 = arith.constant 0.000000e+00 : f32
    %broadcast_in_dim3A_69 = vector.broadcast %broadcast_in_dim3A_68 : f32 to vector<16xf32>
    %swap3A_70 = arith.constant 176 : index
    %swap3A_71 = tpu.vector_load %arg24[%swap3A_70] {strides = array<i32>} : memref<640xf32, #tpu.memory_space<vmem>>, vector<16xf32>,
    %swap3A_72 = vector.shape_cast %swap3A_71 : vector<16xf32> to vector<16xf32>
    %swap3A_73 = vector.shape_cast %broadcast_in_dim3A_69 : vector<16xf32> to vector<16xf32>
    tpu.vector_store %arg24[%swap3A_70], %swap3A_73 {strides = array<i32>} : memref<640xf32, #tpu.memory_space<vmem>>, vector<16xf32>,
    %broadcast_in_dim3A_74 = arith.constant 0.000000e+00 : f32
    %broadcast_in_dim3A_75 = vector.broadcast %broadcast_in_dim3A_74 : f32 to vector<16xf32>
    %swap3A_76 = arith.constant 192 : index
    %swap3A_77 = tpu.vector_load %arg24[%swap3A_76] {strides = array<i32>} : memref<640xf32, #tpu.memory_space<vmem>>, vector<16xf32>,
    %swap3A_78 = vector.shape_cast %swap3A_77 : vector<16xf32> to vector<16xf32>
    %swap3A_79 = vector.shape_cast %broadcast_in_dim3A_75 : vector<16xf32> to vector<16xf32>
    tpu.vector_store %arg24[%swap3A_76], %swap3A_79 {strides = array<i32>} : memref<640xf32, #tpu.memory_space<vmem>>, vector<16xf32>,
    %broadcast_in_dim3A_80 = arith.constant 0.000000e+00 : f32
    %broadcast_in_dim3A_81 = vector.broadcast %broadcast_in_dim3A_80 : f32 to vector<16xf32>
    %swap3A_82 = arith.constant 208 : index
    %swap3A_83 = tpu.vector_load %arg24[%swap3A_82] {strides = array<i32>} : memref<640xf32, #tpu.memory_space<vmem>>, vector<16xf32>,
    %swap3A_84 = vector.shape_cast %swap3A_83 : vector<16xf32> to vector<16xf32>
    %swap3A_85 = vector.shape_cast %broadcast_in_dim3A_81 : vector<16xf32> to vector<16xf32>
    tpu.vector_store %arg24[%swap3A_82], %swap3A_85 {strides = array<i32>} : memref<640xf32, #tpu.memory_space<vmem>>, vector<16xf32>,
    %broadcast_in_dim3A_86 = arith.constant 0.000000e+00 : f32
    %broadcast_in_dim3A_87 = vector.broadcast %broadcast_in_dim3A_86 : f32 to vector<16xf32>
    %swap3A_88 = arith.constant 224 : index
    %swap3A_89 = tpu.vector_load %arg24[%swap3A_88] {strides = array<i32>} : memref<640xf32, #tpu.memory_space<vmem>>, vector<16xf32>,
    %swap3A_90 = vector.shape_cast %swap3A_89 : vector<16xf32> to vector<16xf32>
    %swap3A_91 = vector.shape_cast %broadcast_in_dim3A_87 : vector<16xf32> to vector<16xf32>
    tpu.vector_store %arg24[%swap3A_88], %swap3A_91 {strides = array<i32>} : memref<640xf32, #tpu.memory_space<vmem>>, vector<16xf32>,
    %broadcast_in_dim3A_92 = arith.constant 0.000000e+00 : f32
    %broadcast_in_dim3A_93 = vector.broadcast %broadcast_in_dim3A_92 : f32 to vector<16xf32>
    %swap3A_94 = arith.constant 240 : index
    %swap3A_95 = tpu.vector_load %arg24[%swap3A_94] {strides = array<i32>} : memref<640xf32, #tpu.memory_space<vmem>>, vector<16xf32>,
    %swap3A_96 = vector.shape_cast %swap3A_95 : vector<16xf32> to vector<16xf32>
    %swap3A_97 = vector.shape_cast %broadcast_in_dim3A_93 : vector<16xf32> to vector<16xf32>
    tpu.vector_store %arg24[%swap3A_94], %swap3A_97 {strides = array<i32>} : memref<640xf32, #tpu.memory_space<vmem>>, vector<16xf32>,
    %broadcast_in_dim3A_98 = arith.constant 0.000000e+00 : f32
    %broadcast_in_dim3A_99 = vector.broadcast %broadcast_in_dim3A_98 : f32 to vector<16xf32>
    %swap3A_100 = arith.constant 256 : index
    %swap3A_101 = tpu.vector_load %arg24[%swap3A_100] {strides = array<i32>} : memref<640xf32, #tpu.memory_space<vmem>>, vector<16xf32>,
    %swap3A_102 = vector.shape_cast %swap3A_101 : vector<16xf32> to vector<16xf32>
    %swap3A_103 = vector.shape_cast %broadcast_in_dim3A_99 : vector<16xf32> to vector<16xf32>
    tpu.vector_store %arg24[%swap3A_100], %swap3A_103 {strides = array<i32>} : memref<640xf32, #tpu.memory_space<vmem>>, vector<16xf32>,
    %broadcast_in_dim3A_104 = arith.constant 0.000000e+00 : f32
    %broadcast_in_dim3A_105 = vector.broadcast %broadcast_in_dim3A_104 : f32 to vector<16xf32>
    %swap3A_106 = arith.constant 272 : index
    %swap3A_107 = tpu.vector_load %arg24[%swap3A_106] {strides = array<i32>} : memref<640xf32, #tpu.memory_space<vmem>>, vector<16xf32>,
    %swap3A_108 = vector.shape_cast %swap3A_107 : vector<16xf32> to vector<16xf32>
    %swap3A_109 = vector.shape_cast %broadcast_in_dim3A_105 : vector<16xf32> to vector<16xf32>
    tpu.vector_store %arg24[%swap3A_106], %swap3A_109 {strides = array<i32>} : memref<640xf32, #tpu.memory_space<vmem>>, vector<16xf32>,
    %broadcast_in_dim3A_110 = arith.constant 0.000000e+00 : f32
    %broadcast_in_dim3A_111 = vector.broadcast %broadcast_in_dim3A_110 : f32 to vector<16xf32>
    %swap3A_112 = arith.constant 288 : index
    %swap3A_113 = tpu.vector_load %arg24[%swap3A_112] {strides = array<i32>} : memref<640xf32, #tpu.memory_space<vmem>>, vector<16xf32>,
    %swap3A_114 = vector.shape_cast %swap3A_113 : vector<16xf32> to vector<16xf32>
    %swap3A_115 = vector.shape_cast %broadcast_in_dim3A_111 : vector<16xf32> to vector<16xf32>
    tpu.vector_store %arg24[%swap3A_112], %swap3A_115 {strides = array<i32>} : memref<640xf32, #tpu.memory_space<vmem>>, vector<16xf32>,
    %broadcast_in_dim3A_116 = arith.constant 0.000000e+00 : f32
    %broadcast_in_dim3A_117 = vector.broadcast %broadcast_in_dim3A_116 : f32 to vector<16xf32>
    %swap3A_118 = arith.constant 304 : index
    %swap3A_119 = tpu.vector_load %arg24[%swap3A_118] {strides = array<i32>} : memref<640xf32, #tpu.memory_space<vmem>>, vector<16xf32>,
    %swap3A_120 = vector.shape_cast %swap3A_119 : vector<16xf32> to vector<16xf32>
    %swap3A_121 = vector.shape_cast %broadcast_in_dim3A_117 : vector<16xf32> to vector<16xf32>
    tpu.vector_store %arg24[%swap3A_118], %swap3A_121 {strides = array<i32>} : memref<640xf32, #tpu.memory_space<vmem>>, vector<16xf32>,
    %broadcast_in_dim3A_122 = arith.constant 0.000000e+00 : f32
    %broadcast_in_dim3A_123 = vector.broadcast %broadcast_in_dim3A_122 : f32 to vector<16xf32>
    %swap3A_124 = arith.constant 320 : index
    %swap3A_125 = tpu.vector_load %arg24[%swap3A_124] {strides = array<i32>} : memref<640xf32, #tpu.memory_space<vmem>>, vector<16xf32>,
    %swap3A_126 = vector.shape_cast %swap3A_125 : vector<16xf32> to vector<16xf32>
    %swap3A_127 = vector.shape_cast %broadcast_in_dim3A_123 : vector<16xf32> to vector<16xf32>
    tpu.vector_store %arg24[%swap3A_124], %swap3A_127 {strides = array<i32>} : memref<640xf32, #tpu.memory_space<vmem>>, vector<16xf32>,
    %broadcast_in_dim3A_128 = arith.constant 0.000000e+00 : f32
    %broadcast_in_dim3A_129 = vector.broadcast %broadcast_in_dim3A_128 : f32 to vector<16xf32>
    %swap3A_130 = arith.constant 336 : index
    %swap3A_131 = tpu.vector_load %arg24[%swap3A_130] {strides = array<i32>} : memref<640xf32, #tpu.memory_space<vmem>>, vector<16xf32>,
    %swap3A_132 = vector.shape_cast %swap3A_131 : vector<16xf32> to vector<16xf32>
    %swap3A_133 = vector.shape_cast %broadcast_in_dim3A_129 : vector<16xf32> to vector<16xf32>
    tpu.vector_store %arg24[%swap3A_130], %swap3A_133 {strides = array<i32>} : memref<640xf32, #tpu.memory_space<vmem>>, vector<16xf32>,
    %broadcast_in_dim3A_134 = arith.constant 0.000000e+00 : f32
    %broadcast_in_dim3A_135 = vector.broadcast %broadcast_in_dim3A_134 : f32 to vector<16xf32>
    %swap3A_136 = arith.constant 352 : index
    %swap3A_137 = tpu.vector_load %arg24[%swap3A_136] {strides = array<i32>} : memref<640xf32, #tpu.memory_space<vmem>>, vector<16xf32>,
    %swap3A_138 = vector.shape_cast %swap3A_137 : vector<16xf32> to vector<16xf32>
    %swap3A_139 = vector.shape_cast %broadcast_in_dim3A_135 : vector<16xf32> to vector<16xf32>
    tpu.vector_store %arg24[%swap3A_136], %swap3A_139 {strides = array<i32>} : memref<640xf32, #tpu.memory_space<vmem>>, vector<16xf32>,
    %broadcast_in_dim3A_140 = arith.constant 0.000000e+00 : f32
    %broadcast_in_dim3A_141 = vector.broadcast %broadcast_in_dim3A_140 : f32 to vector<16xf32>
    %swap3A_142 = arith.constant 368 : index
    %swap3A_143 = tpu.vector_load %arg24[%swap3A_142] {strides = array<i32>} : memref<640xf32, #tpu.memory_space<vmem>>, vector<16xf32>,
    %swap3A_144 = vector.shape_cast %swap3A_143 : vector<16xf32> to vector<16xf32>
    %swap3A_145 = vector.shape_cast %broadcast_in_dim3A_141 : vector<16xf32> to vector<16xf32>
    tpu.vector_store %arg24[%swap3A_142], %swap3A_145 {strides = array<i32>} : memref<640xf32, #tpu.memory_space<vmem>>, vector<16xf32>,
    %broadcast_in_dim3A_146 = arith.constant 0.000000e+00 : f32
    %broadcast_in_dim3A_147 = vector.broadcast %broadcast_in_dim3A_146 : f32 to vector<16xf32>
    %swap3A_148 = arith.constant 384 : index
    %swap3A_149 = tpu.vector_load %arg24[%swap3A_148] {strides = array<i32>} : memref<640xf32, #tpu.memory_space<vmem>>, vector<16xf32>,
    %swap3A_150 = vector.shape_cast %swap3A_149 : vector<16xf32> to vector<16xf32>
    %swap3A_151 = vector.shape_cast %broadcast_in_dim3A_147 : vector<16xf32> to vector<16xf32>
    tpu.vector_store %arg24[%swap3A_148], %swap3A_151 {strides = array<i32>} : memref<640xf32, #tpu.memory_space<vmem>>, vector<16xf32>,
    %broadcast_in_dim3A_152 = arith.constant 0.000000e+00 : f32
    %broadcast_in_dim3A_153 = vector.broadcast %broadcast_in_dim3A_152 : f32 to vector<16xf32>
    %swap3A_154 = arith.constant 400 : index
    %swap3A_155 = tpu.vector_load %arg24[%swap3A_154] {strides = array<i32>} : memref<640xf32, #tpu.memory_space<vmem>>, vector<16xf32>,
    %swap3A_156 = vector.shape_cast %swap3A_155 : vector<16xf32> to vector<16xf32>
    %swap3A_157 = vector.shape_cast %broadcast_in_dim3A_153 : vector<16xf32> to vector<16xf32>
    tpu.vector_store %arg24[%swap3A_154], %swap3A_157 {strides = array<i32>} : memref<640xf32, #tpu.memory_space<vmem>>, vector<16xf32>,
    %broadcast_in_dim3A_158 = arith.constant 0.000000e+00 : f32
    %broadcast_in_dim3A_159 = vector.broadcast %broadcast_in_dim3A_158 : f32 to vector<16xf32>
    %swap3A_160 = arith.constant 416 : index
    %swap3A_161 = tpu.vector_load %arg24[%swap3A_160] {strides = array<i32>} : memref<640xf32, #tpu.memory_space<vmem>>, vector<16xf32>,
    %swap3A_162 = vector.shape_cast %swap3A_161 : vector<16xf32> to vector<16xf32>
    %swap3A_163 = vector.shape_cast %broadcast_in_dim3A_159 : vector<16xf32> to vector<16xf32>
    tpu.vector_store %arg24[%swap3A_160], %swap3A_163 {strides = array<i32>} : memref<640xf32, #tpu.memory_space<vmem>>, vector<16xf32>,
    %broadcast_in_dim3A_164 = arith.constant 0.000000e+00 : f32
    %broadcast_in_dim3A_165 = vector.broadcast %broadcast_in_dim3A_164 : f32 to vector<16xf32>
    %swap3A_166 = arith.constant 432 : index
    %swap3A_167 = tpu.vector_load %arg24[%swap3A_166] {strides = array<i32>} : memref<640xf32, #tpu.memory_space<vmem>>, vector<16xf32>,
    %swap3A_168 = vector.shape_cast %swap3A_167 : vector<16xf32> to vector<16xf32>
    %swap3A_169 = vector.shape_cast %broadcast_in_dim3A_165 : vector<16xf32> to vector<16xf32>
    tpu.vector_store %arg24[%swap3A_166], %swap3A_169 {strides = array<i32>} : memref<640xf32, #tpu.memory_space<vmem>>, vector<16xf32>,
    %broadcast_in_dim3A_170 = arith.constant 0.000000e+00 : f32
    %broadcast_in_dim3A_171 = vector.broadcast %broadcast_in_dim3A_170 : f32 to vector<16xf32>
    %swap3A_172 = arith.constant 448 : index
    %swap3A_173 = tpu.vector_load %arg24[%swap3A_172] {strides = array<i32>} : memref<640xf32, #tpu.memory_space<vmem>>, vector<16xf32>,
    %swap3A_174 = vector.shape_cast %swap3A_173 : vector<16xf32> to vector<16xf32>
    %swap3A_175 = vector.shape_cast %broadcast_in_dim3A_171 : vector<16xf32> to vector<16xf32>
    tpu.vector_store %arg24[%swap3A_172], %swap3A_175 {strides = array<i32>} : memref<640xf32, #tpu.memory_space<vmem>>, vector<16xf32>,
    %broadcast_in_dim3A_176 = arith.constant 0.000000e+00 : f32
    %broadcast_in_dim3A_177 = vector.broadcast %broadcast_in_dim3A_176 : f32 to vector<16xf32>
    %swap3A_178 = arith.constant 464 : index
    %swap3A_179 = tpu.vector_load %arg24[%swap3A_178] {strides = array<i32>} : memref<640xf32, #tpu.memory_space<vmem>>, vector<16xf32>,
    %swap3A_180 = vector.shape_cast %swap3A_179 : vector<16xf32> to vector<16xf32>
    %swap3A_181 = vector.shape_cast %broadcast_in_dim3A_177 : vector<16xf32> to vector<16xf32>
    tpu.vector_store %arg24[%swap3A_178], %swap3A_181 {strides = array<i32>} : memref<640xf32, #tpu.memory_space<vmem>>, vector<16xf32>,
    %broadcast_in_dim3A_182 = arith.constant 0.000000e+00 : f32
    %broadcast_in_dim3A_183 = vector.broadcast %broadcast_in_dim3A_182 : f32 to vector<16xf32>
    %swap3A_184 = arith.constant 480 : index
    %swap3A_185 = tpu.vector_load %arg24[%swap3A_184] {strides = array<i32>} : memref<640xf32, #tpu.memory_space<vmem>>, vector<16xf32>,
    %swap3A_186 = vector.shape_cast %swap3A_185 : vector<16xf32> to vector<16xf32>
    %swap3A_187 = vector.shape_cast %broadcast_in_dim3A_183 : vector<16xf32> to vector<16xf32>
    tpu.vector_store %arg24[%swap3A_184], %swap3A_187 {strides = array<i32>} : memref<640xf32, #tpu.memory_space<vmem>>, vector<16xf32>,
    %broadcast_in_dim3A_188 = arith.constant 0.000000e+00 : f32
    %broadcast_in_dim3A_189 = vector.broadcast %broadcast_in_dim3A_188 : f32 to vector<16xf32>
    %swap3A_190 = arith.constant 496 : index
    %swap3A_191 = tpu.vector_load %arg24[%swap3A_190] {strides = array<i32>} : memref<640xf32, #tpu.memory_space<vmem>>, vector<16xf32>,
    %swap3A_192 = vector.shape_cast %swap3A_191 : vector<16xf32> to vector<16xf32>
    %swap3A_193 = vector.shape_cast %broadcast_in_dim3A_189 : vector<16xf32> to vector<16xf32>
    tpu.vector_store %arg24[%swap3A_190], %swap3A_193 {strides = array<i32>} : memref<640xf32, #tpu.memory_space<vmem>>, vector<16xf32>,
    %broadcast_in_dim3A_194 = arith.constant 0.000000e+00 : f32
    %broadcast_in_dim3A_195 = vector.broadcast %broadcast_in_dim3A_194 : f32 to vector<16xf32>
    %swap3A_196 = arith.constant 512 : index
    %swap3A_197 = tpu.vector_load %arg24[%swap3A_196] {strides = array<i32>} : memref<640xf32, #tpu.memory_space<vmem>>, vector<16xf32>,
    %swap3A_198 = vector.shape_cast %swap3A_197 : vector<16xf32> to vector<16xf32>
    %swap3A_199 = vector.shape_cast %broadcast_in_dim3A_195 : vector<16xf32> to vector<16xf32>
    tpu.vector_store %arg24[%swap3A_196], %swap3A_199 {strides = array<i32>} : memref<640xf32, #tpu.memory_space<vmem>>, vector<16xf32>,
    %broadcast_in_dim3A_200 = arith.constant 0.000000e+00 : f32
    %broadcast_in_dim3A_201 = vector.broadcast %broadcast_in_dim3A_200 : f32 to vector<16xf32>
    %swap3A_202 = arith.constant 528 : index
    %swap3A_203 = tpu.vector_load %arg24[%swap3A_202] {strides = array<i32>} : memref<640xf32, #tpu.memory_space<vmem>>, vector<16xf32>,
    %swap3A_204 = vector.shape_cast %swap3A_203 : vector<16xf32> to vector<16xf32>
    %swap3A_205 = vector.shape_cast %broadcast_in_dim3A_201 : vector<16xf32> to vector<16xf32>
    tpu.vector_store %arg24[%swap3A_202], %swap3A_205 {strides = array<i32>} : memref<640xf32, #tpu.memory_space<vmem>>, vector<16xf32>,
    %broadcast_in_dim3A_206 = arith.constant 0.000000e+00 : f32
    %broadcast_in_dim3A_207 = vector.broadcast %broadcast_in_dim3A_206 : f32 to vector<16xf32>
    %swap3A_208 = arith.constant 544 : index
    %swap3A_209 = tpu.vector_load %arg24[%swap3A_208] {strides = array<i32>} : memref<640xf32, #tpu.memory_space<vmem>>, vector<16xf32>,
    %swap3A_210 = vector.shape_cast %swap3A_209 : vector<16xf32> to vector<16xf32>
    %swap3A_211 = vector.shape_cast %broadcast_in_dim3A_207 : vector<16xf32> to vector<16xf32>
    tpu.vector_store %arg24[%swap3A_208], %swap3A_211 {strides = array<i32>} : memref<640xf32, #tpu.memory_space<vmem>>, vector<16xf32>,
    %broadcast_in_dim3A_212 = arith.constant 0.000000e+00 : f32
    %broadcast_in_dim3A_213 = vector.broadcast %broadcast_in_dim3A_212 : f32 to vector<16xf32>
    %swap3A_214 = arith.constant 560 : index
    %swap3A_215 = tpu.vector_load %arg24[%swap3A_214] {strides = array<i32>} : memref<640xf32, #tpu.memory_space<vmem>>, vector<16xf32>,
    %swap3A_216 = vector.shape_cast %swap3A_215 : vector<16xf32> to vector<16xf32>
    %swap3A_217 = vector.shape_cast %broadcast_in_dim3A_213 : vector<16xf32> to vector<16xf32>
    tpu.vector_store %arg24[%swap3A_214], %swap3A_217 {strides = array<i32>} : memref<640xf32, #tpu.memory_space<vmem>>, vector<16xf32>,
    %broadcast_in_dim3A_218 = arith.constant 0.000000e+00 : f32
    %broadcast_in_dim3A_219 = vector.broadcast %broadcast_in_dim3A_218 : f32 to vector<16xf32>
    %swap3A_220 = arith.constant 576 : index
    %swap3A_221 = tpu.vector_load %arg24[%swap3A_220] {strides = array<i32>} : memref<640xf32, #tpu.memory_space<vmem>>, vector<16xf32>,
    %swap3A_222 = vector.shape_cast %swap3A_221 : vector<16xf32> to vector<16xf32>
    %swap3A_223 = vector.shape_cast %broadcast_in_dim3A_219 : vector<16xf32> to vector<16xf32>
    tpu.vector_store %arg24[%swap3A_220], %swap3A_223 {strides = array<i32>} : memref<640xf32, #tpu.memory_space<vmem>>, vector<16xf32>,
    %broadcast_in_dim3A_224 = arith.constant 0.000000e+00 : f32
    %broadcast_in_dim3A_225 = vector.broadcast %broadcast_in_dim3A_224 : f32 to vector<16xf32>
    %swap3A_226 = arith.constant 592 : index
    %swap3A_227 = tpu.vector_load %arg24[%swap3A_226] {strides = array<i32>} : memref<640xf32, #tpu.memory_space<vmem>>, vector<16xf32>,
    %swap3A_228 = vector.shape_cast %swap3A_227 : vector<16xf32> to vector<16xf32>
    %swap3A_229 = vector.shape_cast %broadcast_in_dim3A_225 : vector<16xf32> to vector<16xf32>
    tpu.vector_store %arg24[%swap3A_226], %swap3A_229 {strides = array<i32>} : memref<640xf32, #tpu.memory_space<vmem>>, vector<16xf32>,
    %broadcast_in_dim3A_230 = arith.constant 0.000000e+00 : f32
    %broadcast_in_dim3A_231 = vector.broadcast %broadcast_in_dim3A_230 : f32 to vector<16xf32>
    %swap3A_232 = arith.constant 608 : index
    %swap3A_233 = tpu.vector_load %arg24[%swap3A_232] {strides = array<i32>} : memref<640xf32, #tpu.memory_space<vmem>>, vector<16xf32>,
    %swap3A_234 = vector.shape_cast %swap3A_233 : vector<16xf32> to vector<16xf32>
    %swap3A_235 = vector.shape_cast %broadcast_in_dim3A_231 : vector<16xf32> to vector<16xf32>
    tpu.vector_store %arg24[%swap3A_232], %swap3A_235 {strides = array<i32>} : memref<640xf32, #tpu.memory_space<vmem>>, vector<16xf32>,
    %broadcast_in_dim3A_236 = arith.constant 0.000000e+00 : f32
    %broadcast_in_dim3A_237 = vector.broadcast %broadcast_in_dim3A_236 : f32 to vector<16xf32>
    %swap3A_238 = arith.constant 624 : index
    %swap3A_239 = tpu.vector_load %arg24[%swap3A_238] {strides = array<i32>} : memref<640xf32, #tpu.memory_space<vmem>>, vector<16xf32>,
    %swap3A_240 = vector.shape_cast %swap3A_239 : vector<16xf32> to vector<16xf32>
    %swap3A_241 = vector.shape_cast %broadcast_in_dim3A_237 : vector<16xf32> to vector<16xf32>
    tpu.vector_store %arg24[%swap3A_238], %swap3A_241 {strides = array<i32>} : memref<640xf32, #tpu.memory_space<vmem>>, vector<16xf32>,
    %broadcast_in_dim3A_242 = arith.constant 1.000000e+00 : f32
    %broadcast_in_dim3A_243 = vector.broadcast %broadcast_in_dim3A_242 : f32 to vector<16xf32>
    %swap3A_244 = arith.constant 0 : index
    %swap3A_245 = tpu.vector_load %arg23[%swap3A_244] {strides = array<i32>} : memref<64xf32, #tpu.memory_space<vmem>>, vector<16xf32>,
    %swap3A_246 = vector.shape_cast %swap3A_245 : vector<16xf32> to vector<16xf32>
    %swap3A_247 = vector.shape_cast %broadcast_in_dim3A_243 : vector<16xf32> to vector<16xf32>
    tpu.vector_store %arg23[%swap3A_244], %swap3A_247 {strides = array<i32>} : memref<64xf32, #tpu.memory_space<vmem>>, vector<16xf32>,
    %broadcast_in_dim3A_248 = arith.constant 1.000000e+00 : f32
    %broadcast_in_dim3A_249 = vector.broadcast %broadcast_in_dim3A_248 : f32 to vector<16xf32>
    %swap3A_250 = arith.constant 16 : index
    %swap3A_251 = tpu.vector_load %arg23[%swap3A_250] {strides = array<i32>} : memref<64xf32, #tpu.memory_space<vmem>>, vector<16xf32>,
    %swap3A_252 = vector.shape_cast %swap3A_251 : vector<16xf32> to vector<16xf32>
    %swap3A_253 = vector.shape_cast %broadcast_in_dim3A_249 : vector<16xf32> to vector<16xf32>
    tpu.vector_store %arg23[%swap3A_250], %swap3A_253 {strides = array<i32>} : memref<64xf32, #tpu.memory_space<vmem>>, vector<16xf32>,
    %broadcast_in_dim3A_254 = arith.constant 1.000000e+00 : f32
    %broadcast_in_dim3A_255 = vector.broadcast %broadcast_in_dim3A_254 : f32 to vector<16xf32>
    %swap3A_256 = arith.constant 32 : index
    %swap3A_257 = tpu.vector_load %arg23[%swap3A_256] {strides = array<i32>} : memref<64xf32, #tpu.memory_space<vmem>>, vector<16xf32>,
    %swap3A_258 = vector.shape_cast %swap3A_257 : vector<16xf32> to vector<16xf32>
    %swap3A_259 = vector.shape_cast %broadcast_in_dim3A_255 : vector<16xf32> to vector<16xf32>
    tpu.vector_store %arg23[%swap3A_256], %swap3A_259 {strides = array<i32>} : memref<64xf32, #tpu.memory_space<vmem>>, vector<16xf32>,
    %broadcast_in_dim3A_260 = arith.constant 1.000000e+00 : f32
    %broadcast_in_dim3A_261 = vector.broadcast %broadcast_in_dim3A_260 : f32 to vector<16xf32>
    %swap3A_262 = arith.constant 48 : index
    %swap3A_263 = tpu.vector_load %arg23[%swap3A_262] {strides = array<i32>} : memref<64xf32, #tpu.memory_space<vmem>>, vector<16xf32>,
    %swap3A_264 = vector.shape_cast %swap3A_263 : vector<16xf32> to vector<16xf32>
    %swap3A_265 = vector.shape_cast %broadcast_in_dim3A_261 : vector<16xf32> to vector<16xf32>
    tpu.vector_store %arg23[%swap3A_262], %swap3A_265 {strides = array<i32>} : memref<64xf32, #tpu.memory_space<vmem>>, vector<16xf32>,
    %scan3A_266 = arith.constant 0 : i32
    %scan3A_267 = arith.constant 10 : i32
    %scan3A_268 = arith.addi %scan3A_266, %scan3A_267 : i32
    %scan3A_269 = arith.constant 1 : i32
    scf.for %scan3A_383 = %scan3A_266 to %scan3A_268 step %scan3A_269  : i32 {
      %mul3A_384 = arith.constant 640 : i32
      %mul3A_385 = arith.muli %arg1, %mul3A_384 : i32
      %mul3A_386 = arith.constant 64 : i32
      %mul3A_387 = arith.muli %scan3A_383, %mul3A_386 : i32
      %add3A_388 = arith.addi %mul3A_385, %mul3A_387 : i32
      "tpu.region"() ({
        %run_scoped3A = tpu.sem_alloc : memref<!tpu.dma_semaphore, #tpu.memory_space<semaphore_mem>>
        %dma_start3A_389 = arith.constant 0 : i32
        %dma_start3A_390 = tpu.memref_slice %arg7[%add3A_388, %dma_start3A_389] : memref<10240x128xf32, #tpu.memory_space<vmem_shared>> -> memref<64x128xf32, #tpu.memory_space<vmem_shared>>
        %dma_start3A_391 = arith.constant 0 : i32
        %dma_start3A_392 = tpu.memref_slice %arg7[%add3A_388, %dma_start3A_391] : memref<10240x128xf32, #tpu.memory_space<vmem_shared>> -> memref<64x128xf32, #tpu.memory_space<vmem_shared>>
        tpu.enqueue_dma source(%arg19 : memref<64x128xf32, #tpu.memory_space<vmem>>) target(%dma_start3A_392 : memref<64x128xf32, #tpu.memory_space<vmem_shared>>) target_semaphore(%run_scoped3A : memref<!tpu.dma_semaphore, #tpu.memory_space<semaphore_mem>>)
        %dma_wait3A_393 = arith.constant 0 : i32
        %dma_wait3A_394 = tpu.memref_slice %arg7[%add3A_388, %dma_wait3A_393] : memref<10240x128xf32, #tpu.memory_space<vmem_shared>> -> memref<64x128xf32, #tpu.memory_space<vmem_shared>>
        %dma_wait3A_395 = arith.constant 0 : i32
        %dma_wait3A_396 = tpu.memref_slice %arg7[%add3A_388, %dma_wait3A_395] : memref<10240x128xf32, #tpu.memory_space<vmem_shared>> -> memref<64x128xf32, #tpu.memory_space<vmem_shared>>
        tpu.wait_dma2 semaphore(%run_scoped3A : memref<!tpu.dma_semaphore, #tpu.memory_space<semaphore_mem>>) src(%arg19 : memref<64x128xf32, #tpu.memory_space<vmem>>) dst(%dma_wait3A_396 : memref<64x128xf32, #tpu.memory_space<vmem_shared>>)
        tpu.yield
      }) : () -> ()
    }
    %scan3A_270 = arith.constant 10 : i32
    %mul3A = arith.constant 640 : i32
    %mul3A_271 = arith.muli %arg1, %mul3A : i32
    "tpu.region"() ({
      %run_scoped3A = tpu.sem_alloc : memref<!tpu.dma_semaphore, #tpu.memory_space<semaphore_mem>>
      %dma_start3A_383 = tpu.memref_slice %arg8[%mul3A_271] : memref<10240xf32, #tpu.memory_space<vmem_shared>> -> memref<640xf32, #tpu.memory_space<vmem_shared>>
      %dma_start3A_384 = tpu.memref_slice %arg8[%mul3A_271] : memref<10240xf32, #tpu.memory_space<vmem_shared>> -> memref<640xf32, #tpu.memory_space<vmem_shared>>
      tpu.enqueue_dma source(%arg24 : memref<640xf32, #tpu.memory_space<vmem>>) target(%dma_start3A_384 : memref<640xf32, #tpu.memory_space<vmem_shared>>) target_semaphore(%run_scoped3A : memref<!tpu.dma_semaphore, #tpu.memory_space<semaphore_mem>>)
      %dma_wait3A_385 = tpu.memref_slice %arg8[%mul3A_271] : memref<10240xf32, #tpu.memory_space<vmem_shared>> -> memref<640xf32, #tpu.memory_space<vmem_shared>>
      %dma_wait3A_386 = tpu.memref_slice %arg8[%mul3A_271] : memref<10240xf32, #tpu.memory_space<vmem_shared>> -> memref<640xf32, #tpu.memory_space<vmem_shared>>
      tpu.wait_dma2 semaphore(%run_scoped3A : memref<!tpu.dma_semaphore, #tpu.memory_space<semaphore_mem>>) src(%arg24 : memref<640xf32, #tpu.memory_space<vmem>>) dst(%dma_wait3A_386 : memref<640xf32, #tpu.memory_space<vmem_shared>>)
      tpu.yield
    }) : () -> ()
    %barrier3A = arith.constant 0 : index
    tpu.barrier barrier_id(%barrier3A)
    %mul3A_272 = arith.constant 10240 : i32
    %mul3A_273 = arith.muli %arg1, %mul3A_272 : i32
    %add3A = arith.constant 0 : i32
    %add3A_274 = arith.addi %mul3A_273, %add3A : i32
    %mul3A_275 = arith.constant 163840 : i32
    %mul3A_276 = arith.muli %arg0, %mul3A_275 : i32
    %add3A_277 = arith.addi %mul3A_276, %add3A_274 : i32
    %dma_start3A = tpu.memref_slice %arg3[%add3A_277] : memref<327680xi32, #tpu.memory_space<hbm>> -> memref<256xi32, #tpu.memory_space<hbm>>
    %dma_start3A_278 = tpu.memref_slice %arg3[%add3A_277] : memref<327680xi32, #tpu.memory_space<hbm>> -> memref<256xi32, #tpu.memory_space<hbm>>
    tpu.enqueue_dma source(%dma_start3A_278 : memref<256xi32, #tpu.memory_space<hbm>>) target(%arg9 : memref<256xi32, #tpu.memory_space<vmem>>) target_semaphore(%arg33 : memref<!tpu.dma_semaphore, #tpu.memory_space<semaphore_mem>>)
    %add3A_279 = arith.constant 0 : i32
    %add3A_280 = arith.addi %add3A_274, %add3A_279 : i32
    %dma_start3A_281 = tpu.memref_slice %arg4[%add3A_280] : memref<163840xi32, #tpu.memory_space<hbm>> -> memref<64xi32, #tpu.memory_space<hbm>>
    %dma_start3A_282 = tpu.memref_slice %arg4[%add3A_280] : memref<163840xi32, #tpu.memory_space<hbm>> -> memref<64xi32, #tpu.memory_space<hbm>>
    tpu.enqueue_dma source(%dma_start3A_282 : memref<64xi32, #tpu.memory_space<hbm>>) target(%arg11 : memref<64xi32, #tpu.memory_space<vmem>>) target_semaphore(%arg33 : memref<!tpu.dma_semaphore, #tpu.memory_space<semaphore_mem>>)
    %add3A_283 = arith.constant 64 : i32
    %add3A_284 = arith.addi %add3A_274, %add3A_283 : i32
    %dma_start3A_285 = tpu.memref_slice %arg4[%add3A_284] : memref<163840xi32, #tpu.memory_space<hbm>> -> memref<64xi32, #tpu.memory_space<hbm>>
    %dma_start3A_286 = tpu.memref_slice %arg4[%add3A_284] : memref<163840xi32, #tpu.memory_space<hbm>> -> memref<64xi32, #tpu.memory_space<hbm>>
    tpu.enqueue_dma source(%dma_start3A_286 : memref<64xi32, #tpu.memory_space<hbm>>) target(%arg12 : memref<64xi32, #tpu.memory_space<vmem>>) target_semaphore(%arg33 : memref<!tpu.dma_semaphore, #tpu.memory_space<semaphore_mem>>)
    %add3A_287 = arith.constant 128 : i32
    %add3A_288 = arith.addi %add3A_274, %add3A_287 : i32
    %dma_start3A_289 = tpu.memref_slice %arg4[%add3A_288] : memref<163840xi32, #tpu.memory_space<hbm>> -> memref<64xi32, #tpu.memory_space<hbm>>
    %dma_start3A_290 = tpu.memref_slice %arg4[%add3A_288] : memref<163840xi32, #tpu.memory_space<hbm>> -> memref<64xi32, #tpu.memory_space<hbm>>
    tpu.enqueue_dma source(%dma_start3A_290 : memref<64xi32, #tpu.memory_space<hbm>>) target(%arg13 : memref<64xi32, #tpu.memory_space<vmem>>) target_semaphore(%arg33 : memref<!tpu.dma_semaphore, #tpu.memory_space<semaphore_mem>>)
    %add3A_291 = arith.constant 192 : i32
    %add3A_292 = arith.addi %add3A_274, %add3A_291 : i32
    %dma_start3A_293 = tpu.memref_slice %arg4[%add3A_292] : memref<163840xi32, #tpu.memory_space<hbm>> -> memref<64xi32, #tpu.memory_space<hbm>>
    %dma_start3A_294 = tpu.memref_slice %arg4[%add3A_292] : memref<163840xi32, #tpu.memory_space<hbm>> -> memref<64xi32, #tpu.memory_space<hbm>>
    tpu.enqueue_dma source(%dma_start3A_294 : memref<64xi32, #tpu.memory_space<hbm>>) target(%arg14 : memref<64xi32, #tpu.memory_space<vmem>>) target_semaphore(%arg33 : memref<!tpu.dma_semaphore, #tpu.memory_space<semaphore_mem>>)
    %dma_wait3A = arith.constant 0 : i32
    %dma_wait3A_295 = tpu.memref_slice %arg3[%dma_wait3A] : memref<327680xi32, #tpu.memory_space<hbm>> -> memref<256xi32, #tpu.memory_space<hbm>>
    %dma_wait3A_296 = arith.constant 0 : i32
    %dma_wait3A_297 = tpu.memref_slice %arg3[%dma_wait3A_296] : memref<327680xi32, #tpu.memory_space<hbm>> -> memref<256xi32, #tpu.memory_space<hbm>>
    tpu.wait_dma2 semaphore(%arg33 : memref<!tpu.dma_semaphore, #tpu.memory_space<semaphore_mem>>) src(%dma_wait3A_297 : memref<256xi32, #tpu.memory_space<hbm>>) dst(%arg9 : memref<256xi32, #tpu.memory_space<vmem>>)
    %dma_wait3A_298 = arith.constant 0 : i32
    %dma_wait3A_299 = tpu.memref_slice %arg4[%dma_wait3A_298] : memref<163840xi32, #tpu.memory_space<hbm>> -> memref<64xi32, #tpu.memory_space<hbm>>
    %dma_wait3A_300 = arith.constant 0 : i32
    %dma_wait3A_301 = tpu.memref_slice %arg4[%dma_wait3A_300] : memref<163840xi32, #tpu.memory_space<hbm>> -> memref<64xi32, #tpu.memory_space<hbm>>
    tpu.wait_dma2 semaphore(%arg33 : memref<!tpu.dma_semaphore, #tpu.memory_space<semaphore_mem>>) src(%dma_wait3A_301 : memref<64xi32, #tpu.memory_space<hbm>>) dst(%arg11 : memref<64xi32, #tpu.memory_space<vmem>>)
    %dma_wait3A_302 = arith.constant 0 : i32
    %dma_wait3A_303 = tpu.memref_slice %arg4[%dma_wait3A_302] : memref<163840xi32, #tpu.memory_space<hbm>> -> memref<64xi32, #tpu.memory_space<hbm>>
    %dma_wait3A_304 = arith.constant 0 : i32
    %dma_wait3A_305 = tpu.memref_slice %arg4[%dma_wait3A_304] : memref<163840xi32, #tpu.memory_space<hbm>> -> memref<64xi32, #tpu.memory_space<hbm>>
    tpu.wait_dma2 semaphore(%arg33 : memref<!tpu.dma_semaphore, #tpu.memory_space<semaphore_mem>>) src(%dma_wait3A_305 : memref<64xi32, #tpu.memory_space<hbm>>) dst(%arg12 : memref<64xi32, #tpu.memory_space<vmem>>)
    %dma_wait3A_306 = arith.constant 0 : i32
    %dma_wait3A_307 = tpu.memref_slice %arg4[%dma_wait3A_306] : memref<163840xi32, #tpu.memory_space<hbm>> -> memref<64xi32, #tpu.memory_space<hbm>>
    %dma_wait3A_308 = arith.constant 0 : i32
    %dma_wait3A_309 = tpu.memref_slice %arg4[%dma_wait3A_308] : memref<163840xi32, #tpu.memory_space<hbm>> -> memref<64xi32, #tpu.memory_space<hbm>>
    tpu.wait_dma2 semaphore(%arg33 : memref<!tpu.dma_semaphore, #tpu.memory_space<semaphore_mem>>) src(%dma_wait3A_309 : memref<64xi32, #tpu.memory_space<hbm>>) dst(%arg13 : memref<64xi32, #tpu.memory_space<vmem>>)
    %dma_wait3A_310 = arith.constant 0 : i32
    %dma_wait3A_311 = tpu.memref_slice %arg4[%dma_wait3A_310] : memref<163840xi32, #tpu.memory_space<hbm>> -> memref<64xi32, #tpu.memory_space<hbm>>
    %dma_wait3A_312 = arith.constant 0 : i32
    %dma_wait3A_313 = tpu.memref_slice %arg4[%dma_wait3A_312] : memref<163840xi32, #tpu.memory_space<hbm>> -> memref<64xi32, #tpu.memory_space<hbm>>
    tpu.wait_dma2 semaphore(%arg33 : memref<!tpu.dma_semaphore, #tpu.memory_space<semaphore_mem>>) src(%dma_wait3A_313 : memref<64xi32, #tpu.memory_space<hbm>>) dst(%arg14 : memref<64xi32, #tpu.memory_space<vmem>>)
    %mul3A_314 = arith.constant 10240 : i32
    %mul3A_315 = arith.muli %arg1, %mul3A_314 : i32
    %add3A_316 = arith.constant 256 : i32
    %add3A_317 = arith.addi %mul3A_315, %add3A_316 : i32
    %mul3A_318 = arith.constant 163840 : i32
    %mul3A_319 = arith.muli %arg0, %mul3A_318 : i32
    %add3A_320 = arith.addi %mul3A_319, %add3A_317 : i32
    %dma_start3A_321 = tpu.memref_slice %arg3[%add3A_320] : memref<327680xi32, #tpu.memory_space<hbm>> -> memref<256xi32, #tpu.memory_space<hbm>>
    %dma_start3A_322 = tpu.memref_slice %arg3[%add3A_320] : memref<327680xi32, #tpu.memory_space<hbm>> -> memref<256xi32, #tpu.memory_space<hbm>>
    tpu.enqueue_dma source(%dma_start3A_322 : memref<256xi32, #tpu.memory_space<hbm>>) target(%arg10 : memref<256xi32, #tpu.memory_space<vmem>>) target_semaphore(%arg34 : memref<!tpu.dma_semaphore, #tpu.memory_space<semaphore_mem>>)
    %add3A_323 = arith.constant 0 : i32
    %add3A_324 = arith.addi %add3A_317, %add3A_323 : i32
    %dma_start3A_325 = tpu.memref_slice %arg4[%add3A_324] : memref<163840xi32, #tpu.memory_space<hbm>> -> memref<64xi32, #tpu.memory_space<hbm>>
    %dma_start3A_326 = tpu.memref_slice %arg4[%add3A_324] : memref<163840xi32, #tpu.memory_space<hbm>> -> memref<64xi32, #tpu.memory_space<hbm>>
    tpu.enqueue_dma source(%dma_start3A_326 : memref<64xi32, #tpu.memory_space<hbm>>) target(%arg15 : memref<64xi32, #tpu.memory_space<vmem>>) target_semaphore(%arg34 : memref<!tpu.dma_semaphore, #tpu.memory_space<semaphore_mem>>)
    %add3A_327 = arith.constant 64 : i32
    %add3A_328 = arith.addi %add3A_317, %add3A_327 : i32
    %dma_start3A_329 = tpu.memref_slice %arg4[%add3A_328] : memref<163840xi32, #tpu.memory_space<hbm>> -> memref<64xi32, #tpu.memory_space<hbm>>
    %dma_start3A_330 = tpu.memref_slice %arg4[%add3A_328] : memref<163840xi32, #tpu.memory_space<hbm>> -> memref<64xi32, #tpu.memory_space<hbm>>
    tpu.enqueue_dma source(%dma_start3A_330 : memref<64xi32, #tpu.memory_space<hbm>>) target(%arg16 : memref<64xi32, #tpu.memory_space<vmem>>) target_semaphore(%arg34 : memref<!tpu.dma_semaphore, #tpu.memory_space<semaphore_mem>>)
    %add3A_331 = arith.constant 128 : i32
    %add3A_332 = arith.addi %add3A_317, %add3A_331 : i32
    %dma_start3A_333 = tpu.memref_slice %arg4[%add3A_332] : memref<163840xi32, #tpu.memory_space<hbm>> -> memref<64xi32, #tpu.memory_space<hbm>>
    %dma_start3A_334 = tpu.memref_slice %arg4[%add3A_332] : memref<163840xi32, #tpu.memory_space<hbm>> -> memref<64xi32, #tpu.memory_space<hbm>>
    tpu.enqueue_dma source(%dma_start3A_334 : memref<64xi32, #tpu.memory_space<hbm>>) target(%arg17 : memref<64xi32, #tpu.memory_space<vmem>>) target_semaphore(%arg34 : memref<!tpu.dma_semaphore, #tpu.memory_space<semaphore_mem>>)
    %add3A_335 = arith.constant 192 : i32
    %add3A_336 = arith.addi %add3A_317, %add3A_335 : i32
    %dma_start3A_337 = tpu.memref_slice %arg4[%add3A_336] : memref<163840xi32, #tpu.memory_space<hbm>> -> memref<64xi32, #tpu.memory_space<hbm>>
    %dma_start3A_338 = tpu.memref_slice %arg4[%add3A_336] : memref<163840xi32, #tpu.memory_space<hbm>> -> memref<64xi32, #tpu.memory_space<hbm>>
    tpu.enqueue_dma source(%dma_start3A_338 : memref<64xi32, #tpu.memory_space<hbm>>) target(%arg18 : memref<64xi32, #tpu.memory_space<vmem>>) target_semaphore(%arg34 : memref<!tpu.dma_semaphore, #tpu.memory_space<semaphore_mem>>)
    %dma_start3A_339 = arith.constant 0 : i32
    %dma_start3A_340 = tpu.memref_slice %arg9[%dma_start3A_339] : memref<256xi32, #tpu.memory_space<vmem>> -> memref<64xi32, #tpu.memory_space<vmem>>
    %dma_start3A_341 = arith.constant 0 : i32
    %dma_start3A_342 = arith.constant 0 : i32
    %dma_start3A_343 = tpu.memref_slice %arg2[%dma_start3A_341, %dma_start3A_342] : memref<20008x128xf32, #tpu.memory_space<hbm>> -> memref<20008x128xf32, #tpu.memory_space<hbm>>
    tpu.enqueue_indirect_dma source(%dma_start3A_343 : memref<20008x128xf32, #tpu.memory_space<hbm>>) target(%arg19 : memref<64x128xf32, #tpu.memory_space<vmem>>) offsets(%dma_start3A_340 : memref<64xi32, #tpu.memory_space<vmem>>) semaphore(%arg25 : memref<!tpu.dma_semaphore, #tpu.memory_space<semaphore_mem>>)
    %dma_start3A_344 = arith.constant 64 : i32
    %dma_start3A_345 = tpu.memref_slice %arg9[%dma_start3A_344] : memref<256xi32, #tpu.memory_space<vmem>> -> memref<64xi32, #tpu.memory_space<vmem>>
    %dma_start3A_346 = arith.constant 0 : i32
    %dma_start3A_347 = arith.constant 0 : i32
    %dma_start3A_348 = tpu.memref_slice %arg2[%dma_start3A_346, %dma_start3A_347] : memref<20008x128xf32, #tpu.memory_space<hbm>> -> memref<20008x128xf32, #tpu.memory_space<hbm>>
    tpu.enqueue_indirect_dma source(%dma_start3A_348 : memref<20008x128xf32, #tpu.memory_space<hbm>>) target(%arg20 : memref<64x128xf32, #tpu.memory_space<vmem>>) offsets(%dma_start3A_345 : memref<64xi32, #tpu.memory_space<vmem>>) semaphore(%arg26 : memref<!tpu.dma_semaphore, #tpu.memory_space<semaphore_mem>>)
    %dma_start3A_349 = arith.constant 128 : i32
    %dma_start3A_350 = tpu.memref_slice %arg9[%dma_start3A_349] : memref<256xi32, #tpu.memory_space<vmem>> -> memref<64xi32, #tpu.memory_space<vmem>>
    %dma_start3A_351 = arith.constant 0 : i32
    %dma_start3A_352 = arith.constant 0 : i32
    %dma_start3A_353 = tpu.memref_slice %arg2[%dma_start3A_351, %dma_start3A_352] : memref<20008x128xf32, #tpu.memory_space<hbm>> -> memref<20008x128xf32, #tpu.memory_space<hbm>>
    tpu.enqueue_indirect_dma source(%dma_start3A_353 : memref<20008x128xf32, #tpu.memory_space<hbm>>) target(%arg21 : memref<64x128xf32, #tpu.memory_space<vmem>>) offsets(%dma_start3A_350 : memref<64xi32, #tpu.memory_space<vmem>>) semaphore(%arg27 : memref<!tpu.dma_semaphore, #tpu.memory_space<semaphore_mem>>)
    %dma_start3A_354 = arith.constant 192 : i32
    %dma_start3A_355 = tpu.memref_slice %arg9[%dma_start3A_354] : memref<256xi32, #tpu.memory_space<vmem>> -> memref<64xi32, #tpu.memory_space<vmem>>
    %dma_start3A_356 = arith.constant 0 : i32
    %dma_start3A_357 = arith.constant 0 : i32
    %dma_start3A_358 = tpu.memref_slice %arg2[%dma_start3A_356, %dma_start3A_357] : memref<20008x128xf32, #tpu.memory_space<hbm>> -> memref<20008x128xf32, #tpu.memory_space<hbm>>
    tpu.enqueue_indirect_dma source(%dma_start3A_358 : memref<20008x128xf32, #tpu.memory_space<hbm>>) target(%arg22 : memref<64x128xf32, #tpu.memory_space<vmem>>) offsets(%dma_start3A_355 : memref<64xi32, #tpu.memory_space<vmem>>) semaphore(%arg28 : memref<!tpu.dma_semaphore, #tpu.memory_space<semaphore_mem>>)
    %scan3A_359 = arith.constant 0 : i32
    %scan3A_360 = arith.constant 20 : i32
    %scan3A_361 = arith.addi %scan3A_359, %scan3A_360 : i32
    %scan3A_362 = arith.constant 1 : i32
    scf.for %scan3A_383 = %scan3A_359 to %scan3A_361 step %scan3A_362  : i32 {
      %mul3A_384 = arith.constant 2 : i32
      %mul3A_385 = arith.muli %scan3A_383, %mul3A_384 : i32
      %add3A_386 = arith.constant 0 : i32
      %add3A_387 = arith.addi %mul3A_385, %add3A_386 : i32
      %dma_wait3A_388 = arith.constant 0 : i32
      %dma_wait3A_389 = tpu.memref_slice %arg9[%dma_wait3A_388] : memref<256xi32, #tpu.memory_space<vmem>> -> memref<64xi32, #tpu.memory_space<vmem>>
      %dma_wait3A_390 = arith.constant 0 : i32
      %dma_wait3A_391 = arith.constant 0 : i32
      %dma_wait3A_392 = tpu.memref_slice %arg2[%dma_wait3A_390, %dma_wait3A_391] : memref<20008x128xf32, #tpu.memory_space<hbm>> -> memref<20008x128xf32, #tpu.memory_space<hbm>>
      tpu.wait_indirect_dma semaphore(%arg25 : memref<!tpu.dma_semaphore, #tpu.memory_space<semaphore_mem>>) src(%dma_wait3A_392 : memref<20008x128xf32, #tpu.memory_space<hbm>>) dst(%arg19 : memref<64x128xf32, #tpu.memory_space<vmem>>)
      %dma_start3A_393 = arith.constant 0 : i32
      %dma_start3A_394 = arith.constant 0 : i32
      %dma_start3A_395 = tpu.memref_slice %arg7[%dma_start3A_393, %dma_start3A_394] : memref<10240x128xf32, #tpu.memory_space<vmem_shared>> -> memref<10240x128xf32, #tpu.memory_space<vmem_shared>>
      tpu.enqueue_indirect_dma source(%arg19 : memref<64x128xf32, #tpu.memory_space<vmem>>) target(%dma_start3A_395 : memref<10240x128xf32, #tpu.memory_space<vmem_shared>>) offsets(%arg11 : memref<64xi32, #tpu.memory_space<vmem>>) semaphore(%arg29 : memref<!tpu.dma_semaphore, #tpu.memory_space<semaphore_mem>>) {add = true}
      %dma_wait3A_396 = arith.constant 0 : i32
      %dma_wait3A_397 = tpu.memref_slice %arg9[%dma_wait3A_396] : memref<256xi32, #tpu.memory_space<vmem>> -> memref<64xi32, #tpu.memory_space<vmem>>
      %dma_wait3A_398 = arith.constant 0 : i32
      %dma_wait3A_399 = arith.constant 0 : i32
      %dma_wait3A_400 = tpu.memref_slice %arg2[%dma_wait3A_398, %dma_wait3A_399] : memref<20008x128xf32, #tpu.memory_space<hbm>> -> memref<20008x128xf32, #tpu.memory_space<hbm>>
      tpu.wait_indirect_dma semaphore(%arg26 : memref<!tpu.dma_semaphore, #tpu.memory_space<semaphore_mem>>) src(%dma_wait3A_400 : memref<20008x128xf32, #tpu.memory_space<hbm>>) dst(%arg20 : memref<64x128xf32, #tpu.memory_space<vmem>>)
      %dma_start3A_401 = arith.constant 0 : i32
      %dma_start3A_402 = arith.constant 0 : i32
      %dma_start3A_403 = tpu.memref_slice %arg7[%dma_start3A_401, %dma_start3A_402] : memref<10240x128xf32, #tpu.memory_space<vmem_shared>> -> memref<10240x128xf32, #tpu.memory_space<vmem_shared>>
      tpu.enqueue_indirect_dma source(%arg20 : memref<64x128xf32, #tpu.memory_space<vmem>>) target(%dma_start3A_403 : memref<10240x128xf32, #tpu.memory_space<vmem_shared>>) offsets(%arg12 : memref<64xi32, #tpu.memory_space<vmem>>) semaphore(%arg30 : memref<!tpu.dma_semaphore, #tpu.memory_space<semaphore_mem>>) {add = true}
      %dma_wait3A_404 = arith.constant 0 : i32
      %dma_wait3A_405 = tpu.memref_slice %arg9[%dma_wait3A_404] : memref<256xi32, #tpu.memory_space<vmem>> -> memref<64xi32, #tpu.memory_space<vmem>>
      %dma_wait3A_406 = arith.constant 0 : i32
      %dma_wait3A_407 = arith.constant 0 : i32
      %dma_wait3A_408 = tpu.memref_slice %arg2[%dma_wait3A_406, %dma_wait3A_407] : memref<20008x128xf32, #tpu.memory_space<hbm>> -> memref<20008x128xf32, #tpu.memory_space<hbm>>
      tpu.wait_indirect_dma semaphore(%arg27 : memref<!tpu.dma_semaphore, #tpu.memory_space<semaphore_mem>>) src(%dma_wait3A_408 : memref<20008x128xf32, #tpu.memory_space<hbm>>) dst(%arg21 : memref<64x128xf32, #tpu.memory_space<vmem>>)
      %dma_start3A_409 = arith.constant 0 : i32
      %dma_start3A_410 = arith.constant 0 : i32
      %dma_start3A_411 = tpu.memref_slice %arg7[%dma_start3A_409, %dma_start3A_410] : memref<10240x128xf32, #tpu.memory_space<vmem_shared>> -> memref<10240x128xf32, #tpu.memory_space<vmem_shared>>
      tpu.enqueue_indirect_dma source(%arg21 : memref<64x128xf32, #tpu.memory_space<vmem>>) target(%dma_start3A_411 : memref<10240x128xf32, #tpu.memory_space<vmem_shared>>) offsets(%arg13 : memref<64xi32, #tpu.memory_space<vmem>>) semaphore(%arg31 : memref<!tpu.dma_semaphore, #tpu.memory_space<semaphore_mem>>) {add = true}
      %dma_wait3A_412 = arith.constant 0 : i32
      %dma_wait3A_413 = tpu.memref_slice %arg9[%dma_wait3A_412] : memref<256xi32, #tpu.memory_space<vmem>> -> memref<64xi32, #tpu.memory_space<vmem>>
      %dma_wait3A_414 = arith.constant 0 : i32
      %dma_wait3A_415 = arith.constant 0 : i32
      %dma_wait3A_416 = tpu.memref_slice %arg2[%dma_wait3A_414, %dma_wait3A_415] : memref<20008x128xf32, #tpu.memory_space<hbm>> -> memref<20008x128xf32, #tpu.memory_space<hbm>>
      tpu.wait_indirect_dma semaphore(%arg28 : memref<!tpu.dma_semaphore, #tpu.memory_space<semaphore_mem>>) src(%dma_wait3A_416 : memref<20008x128xf32, #tpu.memory_space<hbm>>) dst(%arg22 : memref<64x128xf32, #tpu.memory_space<vmem>>)
      %dma_start3A_417 = arith.constant 0 : i32
      %dma_start3A_418 = arith.constant 0 : i32
      %dma_start3A_419 = tpu.memref_slice %arg7[%dma_start3A_417, %dma_start3A_418] : memref<10240x128xf32, #tpu.memory_space<vmem_shared>> -> memref<10240x128xf32, #tpu.memory_space<vmem_shared>>
      tpu.enqueue_indirect_dma source(%arg22 : memref<64x128xf32, #tpu.memory_space<vmem>>) target(%dma_start3A_419 : memref<10240x128xf32, #tpu.memory_space<vmem_shared>>) offsets(%arg14 : memref<64xi32, #tpu.memory_space<vmem>>) semaphore(%arg32 : memref<!tpu.dma_semaphore, #tpu.memory_space<semaphore_mem>>) {add = true}
      %eq3A_420 = arith.constant 0 : i32
      %eq3A_421 = arith.cmpi eq, %arg0, %eq3A_420 : i32
      %convert_element_type3A_422 = arith.extui %eq3A_421 : i1 to i32
      %cond3A_423 = arith.constant 0 : i32
      %cond3A_424 = arith.cmpi ne, %convert_element_type3A_422, %cond3A_423 : i32
      scf.if %cond3A_424 {
        %dma_start3A_504 = arith.constant 0 : i32
        %dma_start3A_505 = tpu.memref_slice %arg8[%dma_start3A_504] : memref<10240xf32, #tpu.memory_space<vmem_shared>> -> memref<10240xf32, #tpu.memory_space<vmem_shared>>
        tpu.enqueue_indirect_dma source(%arg23 : memref<64xf32, #tpu.memory_space<vmem>>) target(%dma_start3A_505 : memref<10240xf32, #tpu.memory_space<vmem_shared>>) offsets(%arg11 : memref<64xi32, #tpu.memory_space<vmem>>) semaphore(%arg35 : memref<!tpu.dma_semaphore, #tpu.memory_space<semaphore_mem>>) {add = true}
        %dma_start3A_506 = arith.constant 0 : i32
        %dma_start3A_507 = tpu.memref_slice %arg8[%dma_start3A_506] : memref<10240xf32, #tpu.memory_space<vmem_shared>> -> memref<10240xf32, #tpu.memory_space<vmem_shared>>
        tpu.enqueue_indirect_dma source(%arg23 : memref<64xf32, #tpu.memory_space<vmem>>) target(%dma_start3A_507 : memref<10240xf32, #tpu.memory_space<vmem_shared>>) offsets(%arg12 : memref<64xi32, #tpu.memory_space<vmem>>) semaphore(%arg35 : memref<!tpu.dma_semaphore, #tpu.memory_space<semaphore_mem>>) {add = true}
        %dma_start3A_508 = arith.constant 0 : i32
        %dma_start3A_509 = tpu.memref_slice %arg8[%dma_start3A_508] : memref<10240xf32, #tpu.memory_space<vmem_shared>> -> memref<10240xf32, #tpu.memory_space<vmem_shared>>
        tpu.enqueue_indirect_dma source(%arg23 : memref<64xf32, #tpu.memory_space<vmem>>) target(%dma_start3A_509 : memref<10240xf32, #tpu.memory_space<vmem_shared>>) offsets(%arg13 : memref<64xi32, #tpu.memory_space<vmem>>) semaphore(%arg35 : memref<!tpu.dma_semaphore, #tpu.memory_space<semaphore_mem>>) {add = true}
        %dma_start3A_510 = arith.constant 0 : i32
        %dma_start3A_511 = tpu.memref_slice %arg8[%dma_start3A_510] : memref<10240xf32, #tpu.memory_space<vmem_shared>> -> memref<10240xf32, #tpu.memory_space<vmem_shared>>
        tpu.enqueue_indirect_dma source(%arg23 : memref<64xf32, #tpu.memory_space<vmem>>) target(%dma_start3A_511 : memref<10240xf32, #tpu.memory_space<vmem_shared>>) offsets(%arg14 : memref<64xi32, #tpu.memory_space<vmem>>) semaphore(%arg35 : memref<!tpu.dma_semaphore, #tpu.memory_space<semaphore_mem>>) {add = true}
      } else {
      }
      %add3A_425 = arith.constant 1 : i32
      %add3A_426 = arith.addi %add3A_387, %add3A_425 : i32
      %lt3A_427 = arith.constant 40 : i32
      %lt3A_428 = arith.cmpi slt, %add3A_426, %lt3A_427 : i32
      %convert_element_type3A_429 = arith.extui %lt3A_428 : i1 to i32
      %cond3A_430 = arith.constant 0 : i32
      %cond3A_431 = arith.cmpi ne, %convert_element_type3A_429, %cond3A_430 : i32
      scf.if %cond3A_431 {
        %dma_wait3A_504 = arith.constant 0 : i32
        %dma_wait3A_505 = tpu.memref_slice %arg3[%dma_wait3A_504] : memref<327680xi32, #tpu.memory_space<hbm>> -> memref<256xi32, #tpu.memory_space<hbm>>
        %dma_wait3A_506 = arith.constant 0 : i32
        %dma_wait3A_507 = tpu.memref_slice %arg3[%dma_wait3A_506] : memref<327680xi32, #tpu.memory_space<hbm>> -> memref<256xi32, #tpu.memory_space<hbm>>
        tpu.wait_dma2 semaphore(%arg34 : memref<!tpu.dma_semaphore, #tpu.memory_space<semaphore_mem>>) src(%dma_wait3A_507 : memref<256xi32, #tpu.memory_space<hbm>>) dst(%arg10 : memref<256xi32, #tpu.memory_space<vmem>>)
        %dma_wait3A_508 = arith.constant 0 : i32
        %dma_wait3A_509 = tpu.memref_slice %arg4[%dma_wait3A_508] : memref<163840xi32, #tpu.memory_space<hbm>> -> memref<64xi32, #tpu.memory_space<hbm>>
        %dma_wait3A_510 = arith.constant 0 : i32
        %dma_wait3A_511 = tpu.memref_slice %arg4[%dma_wait3A_510] : memref<163840xi32, #tpu.memory_space<hbm>> -> memref<64xi32, #tpu.memory_space<hbm>>
        tpu.wait_dma2 semaphore(%arg34 : memref<!tpu.dma_semaphore, #tpu.memory_space<semaphore_mem>>) src(%dma_wait3A_511 : memref<64xi32, #tpu.memory_space<hbm>>) dst(%arg15 : memref<64xi32, #tpu.memory_space<vmem>>)
        %dma_wait3A_512 = arith.constant 0 : i32
        %dma_wait3A_513 = tpu.memref_slice %arg4[%dma_wait3A_512] : memref<163840xi32, #tpu.memory_space<hbm>> -> memref<64xi32, #tpu.memory_space<hbm>>
        %dma_wait3A_514 = arith.constant 0 : i32
        %dma_wait3A_515 = tpu.memref_slice %arg4[%dma_wait3A_514] : memref<163840xi32, #tpu.memory_space<hbm>> -> memref<64xi32, #tpu.memory_space<hbm>>
        tpu.wait_dma2 semaphore(%arg34 : memref<!tpu.dma_semaphore, #tpu.memory_space<semaphore_mem>>) src(%dma_wait3A_515 : memref<64xi32, #tpu.memory_space<hbm>>) dst(%arg16 : memref<64xi32, #tpu.memory_space<vmem>>)
        %dma_wait3A_516 = arith.constant 0 : i32
        %dma_wait3A_517 = tpu.memref_slice %arg4[%dma_wait3A_516] : memref<163840xi32, #tpu.memory_space<hbm>> -> memref<64xi32, #tpu.memory_space<hbm>>
        %dma_wait3A_518 = arith.constant 0 : i32
        %dma_wait3A_519 = tpu.memref_slice %arg4[%dma_wait3A_518] : memref<163840xi32, #tpu.memory_space<hbm>> -> memref<64xi32, #tpu.memory_space<hbm>>
        tpu.wait_dma2 semaphore(%arg34 : memref<!tpu.dma_semaphore, #tpu.memory_space<semaphore_mem>>) src(%dma_wait3A_519 : memref<64xi32, #tpu.memory_space<hbm>>) dst(%arg17 : memref<64xi32, #tpu.memory_space<vmem>>)
        %dma_wait3A_520 = arith.constant 0 : i32
        %dma_wait3A_521 = tpu.memref_slice %arg4[%dma_wait3A_520] : memref<163840xi32, #tpu.memory_space<hbm>> -> memref<64xi32, #tpu.memory_space<hbm>>
        %dma_wait3A_522 = arith.constant 0 : i32
        %dma_wait3A_523 = tpu.memref_slice %arg4[%dma_wait3A_522] : memref<163840xi32, #tpu.memory_space<hbm>> -> memref<64xi32, #tpu.memory_space<hbm>>
        tpu.wait_dma2 semaphore(%arg34 : memref<!tpu.dma_semaphore, #tpu.memory_space<semaphore_mem>>) src(%dma_wait3A_523 : memref<64xi32, #tpu.memory_space<hbm>>) dst(%arg18 : memref<64xi32, #tpu.memory_space<vmem>>)
        %dma_wait3A_524 = arith.constant 0 : i32
        %dma_wait3A_525 = arith.constant 0 : i32
        %dma_wait3A_526 = tpu.memref_slice %arg7[%dma_wait3A_524, %dma_wait3A_525] : memref<10240x128xf32, #tpu.memory_space<vmem_shared>> -> memref<10240x128xf32, #tpu.memory_space<vmem_shared>>
        tpu.wait_indirect_dma semaphore(%arg29 : memref<!tpu.dma_semaphore, #tpu.memory_space<semaphore_mem>>) src(%arg19 : memref<64x128xf32, #tpu.memory_space<vmem>>) dst(%dma_wait3A_526 : memref<10240x128xf32, #tpu.memory_space<vmem_shared>>)
        %dma_start3A_527 = arith.constant 0 : i32
        %dma_start3A_528 = tpu.memref_slice %arg10[%dma_start3A_527] : memref<256xi32, #tpu.memory_space<vmem>> -> memref<64xi32, #tpu.memory_space<vmem>>
        %dma_start3A_529 = arith.constant 0 : i32
        %dma_start3A_530 = arith.constant 0 : i32
        %dma_start3A_531 = tpu.memref_slice %arg2[%dma_start3A_529, %dma_start3A_530] : memref<20008x128xf32, #tpu.memory_space<hbm>> -> memref<20008x128xf32, #tpu.memory_space<hbm>>
        tpu.enqueue_indirect_dma source(%dma_start3A_531 : memref<20008x128xf32, #tpu.memory_space<hbm>>) target(%arg19 : memref<64x128xf32, #tpu.memory_space<vmem>>) offsets(%dma_start3A_528 : memref<64xi32, #tpu.memory_space<vmem>>) semaphore(%arg25 : memref<!tpu.dma_semaphore, #tpu.memory_space<semaphore_mem>>)
        %dma_wait3A_532 = arith.constant 0 : i32
        %dma_wait3A_533 = arith.constant 0 : i32
        %dma_wait3A_534 = tpu.memref_slice %arg7[%dma_wait3A_532, %dma_wait3A_533] : memref<10240x128xf32, #tpu.memory_space<vmem_shared>> -> memref<10240x128xf32, #tpu.memory_space<vmem_shared>>
        tpu.wait_indirect_dma semaphore(%arg30 : memref<!tpu.dma_semaphore, #tpu.memory_space<semaphore_mem>>) src(%arg20 : memref<64x128xf32, #tpu.memory_space<vmem>>) dst(%dma_wait3A_534 : memref<10240x128xf32, #tpu.memory_space<vmem_shared>>)
        %dma_start3A_535 = arith.constant 64 : i32
        %dma_start3A_536 = tpu.memref_slice %arg10[%dma_start3A_535] : memref<256xi32, #tpu.memory_space<vmem>> -> memref<64xi32, #tpu.memory_space<vmem>>
        %dma_start3A_537 = arith.constant 0 : i32
        %dma_start3A_538 = arith.constant 0 : i32
        %dma_start3A_539 = tpu.memref_slice %arg2[%dma_start3A_537, %dma_start3A_538] : memref<20008x128xf32, #tpu.memory_space<hbm>> -> memref<20008x128xf32, #tpu.memory_space<hbm>>
        tpu.enqueue_indirect_dma source(%dma_start3A_539 : memref<20008x128xf32, #tpu.memory_space<hbm>>) target(%arg20 : memref<64x128xf32, #tpu.memory_space<vmem>>) offsets(%dma_start3A_536 : memref<64xi32, #tpu.memory_space<vmem>>) semaphore(%arg26 : memref<!tpu.dma_semaphore, #tpu.memory_space<semaphore_mem>>)
        %dma_wait3A_540 = arith.constant 0 : i32
        %dma_wait3A_541 = arith.constant 0 : i32
        %dma_wait3A_542 = tpu.memref_slice %arg7[%dma_wait3A_540, %dma_wait3A_541] : memref<10240x128xf32, #tpu.memory_space<vmem_shared>> -> memref<10240x128xf32, #tpu.memory_space<vmem_shared>>
        tpu.wait_indirect_dma semaphore(%arg31 : memref<!tpu.dma_semaphore, #tpu.memory_space<semaphore_mem>>) src(%arg21 : memref<64x128xf32, #tpu.memory_space<vmem>>) dst(%dma_wait3A_542 : memref<10240x128xf32, #tpu.memory_space<vmem_shared>>)
        %dma_start3A_543 = arith.constant 128 : i32
        %dma_start3A_544 = tpu.memref_slice %arg10[%dma_start3A_543] : memref<256xi32, #tpu.memory_space<vmem>> -> memref<64xi32, #tpu.memory_space<vmem>>
        %dma_start3A_545 = arith.constant 0 : i32
        %dma_start3A_546 = arith.constant 0 : i32
        %dma_start3A_547 = tpu.memref_slice %arg2[%dma_start3A_545, %dma_start3A_546] : memref<20008x128xf32, #tpu.memory_space<hbm>> -> memref<20008x128xf32, #tpu.memory_space<hbm>>
        tpu.enqueue_indirect_dma source(%dma_start3A_547 : memref<20008x128xf32, #tpu.memory_space<hbm>>) target(%arg21 : memref<64x128xf32, #tpu.memory_space<vmem>>) offsets(%dma_start3A_544 : memref<64xi32, #tpu.memory_space<vmem>>) semaphore(%arg27 : memref<!tpu.dma_semaphore, #tpu.memory_space<semaphore_mem>>)
        %dma_wait3A_548 = arith.constant 0 : i32
        %dma_wait3A_549 = arith.constant 0 : i32
        %dma_wait3A_550 = tpu.memref_slice %arg7[%dma_wait3A_548, %dma_wait3A_549] : memref<10240x128xf32, #tpu.memory_space<vmem_shared>> -> memref<10240x128xf32, #tpu.memory_space<vmem_shared>>
        tpu.wait_indirect_dma semaphore(%arg32 : memref<!tpu.dma_semaphore, #tpu.memory_space<semaphore_mem>>) src(%arg22 : memref<64x128xf32, #tpu.memory_space<vmem>>) dst(%dma_wait3A_550 : memref<10240x128xf32, #tpu.memory_space<vmem_shared>>)
        %dma_start3A_551 = arith.constant 192 : i32
        %dma_start3A_552 = tpu.memref_slice %arg10[%dma_start3A_551] : memref<256xi32, #tpu.memory_space<vmem>> -> memref<64xi32, #tpu.memory_space<vmem>>
        %dma_start3A_553 = arith.constant 0 : i32
        %dma_start3A_554 = arith.constant 0 : i32
        %dma_start3A_555 = tpu.memref_slice %arg2[%dma_start3A_553, %dma_start3A_554] : memref<20008x128xf32, #tpu.memory_space<hbm>> -> memref<20008x128xf32, #tpu.memory_space<hbm>>
        tpu.enqueue_indirect_dma source(%dma_start3A_555 : memref<20008x128xf32, #tpu.memory_space<hbm>>) target(%arg22 : memref<64x128xf32, #tpu.memory_space<vmem>>) offsets(%dma_start3A_552 : memref<64xi32, #tpu.memory_space<vmem>>) semaphore(%arg28 : memref<!tpu.dma_semaphore, #tpu.memory_space<semaphore_mem>>)
      } else {
      }
      %eq3A_432 = arith.constant 0 : i32
      %eq3A_433 = arith.cmpi eq, %arg0, %eq3A_432 : i32
      %convert_element_type3A_434 = arith.extui %eq3A_433 : i1 to i32
      %cond3A_435 = arith.constant 0 : i32
      %cond3A_436 = arith.cmpi ne, %convert_element_type3A_434, %cond3A_435 : i32
      scf.if %cond3A_436 {
        %dma_wait3A_504 = arith.constant 0 : i32
        %dma_wait3A_505 = tpu.memref_slice %arg8[%dma_wait3A_504] : memref<10240xf32, #tpu.memory_space<vmem_shared>> -> memref<10240xf32, #tpu.memory_space<vmem_shared>>
        tpu.wait_indirect_dma semaphore(%arg35 : memref<!tpu.dma_semaphore, #tpu.memory_space<semaphore_mem>>) src(%arg23 : memref<64xf32, #tpu.memory_space<vmem>>) dst(%dma_wait3A_505 : memref<10240xf32, #tpu.memory_space<vmem_shared>>)
        %dma_wait3A_506 = arith.constant 0 : i32
        %dma_wait3A_507 = tpu.memref_slice %arg8[%dma_wait3A_506] : memref<10240xf32, #tpu.memory_space<vmem_shared>> -> memref<10240xf32, #tpu.memory_space<vmem_shared>>
        tpu.wait_indirect_dma semaphore(%arg35 : memref<!tpu.dma_semaphore, #tpu.memory_space<semaphore_mem>>) src(%arg23 : memref<64xf32, #tpu.memory_space<vmem>>) dst(%dma_wait3A_507 : memref<10240xf32, #tpu.memory_space<vmem_shared>>)
        %dma_wait3A_508 = arith.constant 0 : i32
        %dma_wait3A_509 = tpu.memref_slice %arg8[%dma_wait3A_508] : memref<10240xf32, #tpu.memory_space<vmem_shared>> -> memref<10240xf32, #tpu.memory_space<vmem_shared>>
        tpu.wait_indirect_dma semaphore(%arg35 : memref<!tpu.dma_semaphore, #tpu.memory_space<semaphore_mem>>) src(%arg23 : memref<64xf32, #tpu.memory_space<vmem>>) dst(%dma_wait3A_509 : memref<10240xf32, #tpu.memory_space<vmem_shared>>)
        %dma_wait3A_510 = arith.constant 0 : i32
        %dma_wait3A_511 = tpu.memref_slice %arg8[%dma_wait3A_510] : memref<10240xf32, #tpu.memory_space<vmem_shared>> -> memref<10240xf32, #tpu.memory_space<vmem_shared>>
        tpu.wait_indirect_dma semaphore(%arg35 : memref<!tpu.dma_semaphore, #tpu.memory_space<semaphore_mem>>) src(%arg23 : memref<64xf32, #tpu.memory_space<vmem>>) dst(%dma_wait3A_511 : memref<10240xf32, #tpu.memory_space<vmem_shared>>)
      } else {
      }
      %add3A_437 = arith.constant 2 : i32
      %add3A_438 = arith.addi %add3A_387, %add3A_437 : i32
      %lt3A_439 = arith.constant 40 : i32
      %lt3A_440 = arith.cmpi slt, %add3A_438, %lt3A_439 : i32
      %convert_element_type3A_441 = arith.extui %lt3A_440 : i1 to i32
      %cond3A_442 = arith.constant 0 : i32
      %cond3A_443 = arith.cmpi ne, %convert_element_type3A_441, %cond3A_442 : i32
      scf.if %cond3A_443 {
        %add3A_504 = arith.constant 2 : i32
        %add3A_505 = arith.addi %add3A_387, %add3A_504 : i32
        %mul3A_506 = arith.constant 10240 : i32
        %mul3A_507 = arith.muli %arg1, %mul3A_506 : i32
        %mul3A_508 = arith.constant 256 : i32
        %mul3A_509 = arith.muli %add3A_505, %mul3A_508 : i32
        %add3A_510 = arith.addi %mul3A_507, %mul3A_509 : i32
        %mul3A_511 = arith.constant 163840 : i32
        %mul3A_512 = arith.muli %arg0, %mul3A_511 : i32
        %add3A_513 = arith.addi %mul3A_512, %add3A_510 : i32
        %dma_start3A_514 = tpu.memref_slice %arg3[%add3A_513] : memref<327680xi32, #tpu.memory_space<hbm>> -> memref<256xi32, #tpu.memory_space<hbm>>
        %dma_start3A_515 = tpu.memref_slice %arg3[%add3A_513] : memref<327680xi32, #tpu.memory_space<hbm>> -> memref<256xi32, #tpu.memory_space<hbm>>
        tpu.enqueue_dma source(%dma_start3A_515 : memref<256xi32, #tpu.memory_space<hbm>>) target(%arg9 : memref<256xi32, #tpu.memory_space<vmem>>) target_semaphore(%arg33 : memref<!tpu.dma_semaphore, #tpu.memory_space<semaphore_mem>>)
        %add3A_516 = arith.constant 0 : i32
        %add3A_517 = arith.addi %add3A_510, %add3A_516 : i32
        %dma_start3A_518 = tpu.memref_slice %arg4[%add3A_517] : memref<163840xi32, #tpu.memory_space<hbm>> -> memref<64xi32, #tpu.memory_space<hbm>>
        %dma_start3A_519 = tpu.memref_slice %arg4[%add3A_517] : memref<163840xi32, #tpu.memory_space<hbm>> -> memref<64xi32, #tpu.memory_space<hbm>>
        tpu.enqueue_dma source(%dma_start3A_519 : memref<64xi32, #tpu.memory_space<hbm>>) target(%arg11 : memref<64xi32, #tpu.memory_space<vmem>>) target_semaphore(%arg33 : memref<!tpu.dma_semaphore, #tpu.memory_space<semaphore_mem>>)
        %add3A_520 = arith.constant 64 : i32
        %add3A_521 = arith.addi %add3A_510, %add3A_520 : i32
        %dma_start3A_522 = tpu.memref_slice %arg4[%add3A_521] : memref<163840xi32, #tpu.memory_space<hbm>> -> memref<64xi32, #tpu.memory_space<hbm>>
        %dma_start3A_523 = tpu.memref_slice %arg4[%add3A_521] : memref<163840xi32, #tpu.memory_space<hbm>> -> memref<64xi32, #tpu.memory_space<hbm>>
        tpu.enqueue_dma source(%dma_start3A_523 : memref<64xi32, #tpu.memory_space<hbm>>) target(%arg12 : memref<64xi32, #tpu.memory_space<vmem>>) target_semaphore(%arg33 : memref<!tpu.dma_semaphore, #tpu.memory_space<semaphore_mem>>)
        %add3A_524 = arith.constant 128 : i32
        %add3A_525 = arith.addi %add3A_510, %add3A_524 : i32
        %dma_start3A_526 = tpu.memref_slice %arg4[%add3A_525] : memref<163840xi32, #tpu.memory_space<hbm>> -> memref<64xi32, #tpu.memory_space<hbm>>
        %dma_start3A_527 = tpu.memref_slice %arg4[%add3A_525] : memref<163840xi32, #tpu.memory_space<hbm>> -> memref<64xi32, #tpu.memory_space<hbm>>
        tpu.enqueue_dma source(%dma_start3A_527 : memref<64xi32, #tpu.memory_space<hbm>>) target(%arg13 : memref<64xi32, #tpu.memory_space<vmem>>) target_semaphore(%arg33 : memref<!tpu.dma_semaphore, #tpu.memory_space<semaphore_mem>>)
        %add3A_528 = arith.constant 192 : i32
        %add3A_529 = arith.addi %add3A_510, %add3A_528 : i32
        %dma_start3A_530 = tpu.memref_slice %arg4[%add3A_529] : memref<163840xi32, #tpu.memory_space<hbm>> -> memref<64xi32, #tpu.memory_space<hbm>>
        %dma_start3A_531 = tpu.memref_slice %arg4[%add3A_529] : memref<163840xi32, #tpu.memory_space<hbm>> -> memref<64xi32, #tpu.memory_space<hbm>>
        tpu.enqueue_dma source(%dma_start3A_531 : memref<64xi32, #tpu.memory_space<hbm>>) target(%arg14 : memref<64xi32, #tpu.memory_space<vmem>>) target_semaphore(%arg33 : memref<!tpu.dma_semaphore, #tpu.memory_space<semaphore_mem>>)
      } else {
      }
      %mul3A_444 = arith.constant 2 : i32
      %mul3A_445 = arith.muli %scan3A_383, %mul3A_444 : i32
      %add3A_446 = arith.constant 1 : i32
      %add3A_447 = arith.addi %mul3A_445, %add3A_446 : i32
      %dma_wait3A_448 = arith.constant 0 : i32
      %dma_wait3A_449 = tpu.memref_slice %arg9[%dma_wait3A_448] : memref<256xi32, #tpu.memory_space<vmem>> -> memref<64xi32, #tpu.memory_space<vmem>>
      %dma_wait3A_450 = arith.constant 0 : i32
      %dma_wait3A_451 = arith.constant 0 : i32
      %dma_wait3A_452 = tpu.memref_slice %arg2[%dma_wait3A_450, %dma_wait3A_451] : memref<20008x128xf32, #tpu.memory_space<hbm>> -> memref<20008x128xf32, #tpu.memory_space<hbm>>
      tpu.wait_indirect_dma semaphore(%arg25 : memref<!tpu.dma_semaphore, #tpu.memory_space<semaphore_mem>>) src(%dma_wait3A_452 : memref<20008x128xf32, #tpu.memory_space<hbm>>) dst(%arg19 : memref<64x128xf32, #tpu.memory_space<vmem>>)
      %dma_start3A_453 = arith.constant 0 : i32
      %dma_start3A_454 = arith.constant 0 : i32
      %dma_start3A_455 = tpu.memref_slice %arg7[%dma_start3A_453, %dma_start3A_454] : memref<10240x128xf32, #tpu.memory_space<vmem_shared>> -> memref<10240x128xf32, #tpu.memory_space<vmem_shared>>
      tpu.enqueue_indirect_dma source(%arg19 : memref<64x128xf32, #tpu.memory_space<vmem>>) target(%dma_start3A_455 : memref<10240x128xf32, #tpu.memory_space<vmem_shared>>) offsets(%arg15 : memref<64xi32, #tpu.memory_space<vmem>>) semaphore(%arg29 : memref<!tpu.dma_semaphore, #tpu.memory_space<semaphore_mem>>) {add = true}
      %dma_wait3A_456 = arith.constant 0 : i32
      %dma_wait3A_457 = tpu.memref_slice %arg9[%dma_wait3A_456] : memref<256xi32, #tpu.memory_space<vmem>> -> memref<64xi32, #tpu.memory_space<vmem>>
      %dma_wait3A_458 = arith.constant 0 : i32
      %dma_wait3A_459 = arith.constant 0 : i32
      %dma_wait3A_460 = tpu.memref_slice %arg2[%dma_wait3A_458, %dma_wait3A_459] : memref<20008x128xf32, #tpu.memory_space<hbm>> -> memref<20008x128xf32, #tpu.memory_space<hbm>>
      tpu.wait_indirect_dma semaphore(%arg26 : memref<!tpu.dma_semaphore, #tpu.memory_space<semaphore_mem>>) src(%dma_wait3A_460 : memref<20008x128xf32, #tpu.memory_space<hbm>>) dst(%arg20 : memref<64x128xf32, #tpu.memory_space<vmem>>)
      %dma_start3A_461 = arith.constant 0 : i32
      %dma_start3A_462 = arith.constant 0 : i32
      %dma_start3A_463 = tpu.memref_slice %arg7[%dma_start3A_461, %dma_start3A_462] : memref<10240x128xf32, #tpu.memory_space<vmem_shared>> -> memref<10240x128xf32, #tpu.memory_space<vmem_shared>>
      tpu.enqueue_indirect_dma source(%arg20 : memref<64x128xf32, #tpu.memory_space<vmem>>) target(%dma_start3A_463 : memref<10240x128xf32, #tpu.memory_space<vmem_shared>>) offsets(%arg16 : memref<64xi32, #tpu.memory_space<vmem>>) semaphore(%arg30 : memref<!tpu.dma_semaphore, #tpu.memory_space<semaphore_mem>>) {add = true}
      %dma_wait3A_464 = arith.constant 0 : i32
      %dma_wait3A_465 = tpu.memref_slice %arg9[%dma_wait3A_464] : memref<256xi32, #tpu.memory_space<vmem>> -> memref<64xi32, #tpu.memory_space<vmem>>
      %dma_wait3A_466 = arith.constant 0 : i32
      %dma_wait3A_467 = arith.constant 0 : i32
      %dma_wait3A_468 = tpu.memref_slice %arg2[%dma_wait3A_466, %dma_wait3A_467] : memref<20008x128xf32, #tpu.memory_space<hbm>> -> memref<20008x128xf32, #tpu.memory_space<hbm>>
      tpu.wait_indirect_dma semaphore(%arg27 : memref<!tpu.dma_semaphore, #tpu.memory_space<semaphore_mem>>) src(%dma_wait3A_468 : memref<20008x128xf32, #tpu.memory_space<hbm>>) dst(%arg21 : memref<64x128xf32, #tpu.memory_space<vmem>>)
      %dma_start3A_469 = arith.constant 0 : i32
      %dma_start3A_470 = arith.constant 0 : i32
      %dma_start3A_471 = tpu.memref_slice %arg7[%dma_start3A_469, %dma_start3A_470] : memref<10240x128xf32, #tpu.memory_space<vmem_shared>> -> memref<10240x128xf32, #tpu.memory_space<vmem_shared>>
      tpu.enqueue_indirect_dma source(%arg21 : memref<64x128xf32, #tpu.memory_space<vmem>>) target(%dma_start3A_471 : memref<10240x128xf32, #tpu.memory_space<vmem_shared>>) offsets(%arg17 : memref<64xi32, #tpu.memory_space<vmem>>) semaphore(%arg31 : memref<!tpu.dma_semaphore, #tpu.memory_space<semaphore_mem>>) {add = true}
      %dma_wait3A_472 = arith.constant 0 : i32
      %dma_wait3A_473 = tpu.memref_slice %arg9[%dma_wait3A_472] : memref<256xi32, #tpu.memory_space<vmem>> -> memref<64xi32, #tpu.memory_space<vmem>>
      %dma_wait3A_474 = arith.constant 0 : i32
      %dma_wait3A_475 = arith.constant 0 : i32
      %dma_wait3A_476 = tpu.memref_slice %arg2[%dma_wait3A_474, %dma_wait3A_475] : memref<20008x128xf32, #tpu.memory_space<hbm>> -> memref<20008x128xf32, #tpu.memory_space<hbm>>
      tpu.wait_indirect_dma semaphore(%arg28 : memref<!tpu.dma_semaphore, #tpu.memory_space<semaphore_mem>>) src(%dma_wait3A_476 : memref<20008x128xf32, #tpu.memory_space<hbm>>) dst(%arg22 : memref<64x128xf32, #tpu.memory_space<vmem>>)
      %dma_start3A_477 = arith.constant 0 : i32
      %dma_start3A_478 = arith.constant 0 : i32
      %dma_start3A_479 = tpu.memref_slice %arg7[%dma_start3A_477, %dma_start3A_478] : memref<10240x128xf32, #tpu.memory_space<vmem_shared>> -> memref<10240x128xf32, #tpu.memory_space<vmem_shared>>
      tpu.enqueue_indirect_dma source(%arg22 : memref<64x128xf32, #tpu.memory_space<vmem>>) target(%dma_start3A_479 : memref<10240x128xf32, #tpu.memory_space<vmem_shared>>) offsets(%arg18 : memref<64xi32, #tpu.memory_space<vmem>>) semaphore(%arg32 : memref<!tpu.dma_semaphore, #tpu.memory_space<semaphore_mem>>) {add = true}
      %eq3A_480 = arith.constant 0 : i32
      %eq3A_481 = arith.cmpi eq, %arg0, %eq3A_480 : i32
      %convert_element_type3A_482 = arith.extui %eq3A_481 : i1 to i32
      %cond3A_483 = arith.constant 0 : i32
      %cond3A_484 = arith.cmpi ne, %convert_element_type3A_482, %cond3A_483 : i32
      scf.if %cond3A_484 {
        %dma_start3A_504 = arith.constant 0 : i32
        %dma_start3A_505 = tpu.memref_slice %arg8[%dma_start3A_504] : memref<10240xf32, #tpu.memory_space<vmem_shared>> -> memref<10240xf32, #tpu.memory_space<vmem_shared>>
        tpu.enqueue_indirect_dma source(%arg23 : memref<64xf32, #tpu.memory_space<vmem>>) target(%dma_start3A_505 : memref<10240xf32, #tpu.memory_space<vmem_shared>>) offsets(%arg15 : memref<64xi32, #tpu.memory_space<vmem>>) semaphore(%arg35 : memref<!tpu.dma_semaphore, #tpu.memory_space<semaphore_mem>>) {add = true}
        %dma_start3A_506 = arith.constant 0 : i32
        %dma_start3A_507 = tpu.memref_slice %arg8[%dma_start3A_506] : memref<10240xf32, #tpu.memory_space<vmem_shared>> -> memref<10240xf32, #tpu.memory_space<vmem_shared>>
        tpu.enqueue_indirect_dma source(%arg23 : memref<64xf32, #tpu.memory_space<vmem>>) target(%dma_start3A_507 : memref<10240xf32, #tpu.memory_space<vmem_shared>>) offsets(%arg16 : memref<64xi32, #tpu.memory_space<vmem>>) semaphore(%arg35 : memref<!tpu.dma_semaphore, #tpu.memory_space<semaphore_mem>>) {add = true}
        %dma_start3A_508 = arith.constant 0 : i32
        %dma_start3A_509 = tpu.memref_slice %arg8[%dma_start3A_508] : memref<10240xf32, #tpu.memory_space<vmem_shared>> -> memref<10240xf32, #tpu.memory_space<vmem_shared>>
        tpu.enqueue_indirect_dma source(%arg23 : memref<64xf32, #tpu.memory_space<vmem>>) target(%dma_start3A_509 : memref<10240xf32, #tpu.memory_space<vmem_shared>>) offsets(%arg17 : memref<64xi32, #tpu.memory_space<vmem>>) semaphore(%arg35 : memref<!tpu.dma_semaphore, #tpu.memory_space<semaphore_mem>>) {add = true}
        %dma_start3A_510 = arith.constant 0 : i32
        %dma_start3A_511 = tpu.memref_slice %arg8[%dma_start3A_510] : memref<10240xf32, #tpu.memory_space<vmem_shared>> -> memref<10240xf32, #tpu.memory_space<vmem_shared>>
        tpu.enqueue_indirect_dma source(%arg23 : memref<64xf32, #tpu.memory_space<vmem>>) target(%dma_start3A_511 : memref<10240xf32, #tpu.memory_space<vmem_shared>>) offsets(%arg18 : memref<64xi32, #tpu.memory_space<vmem>>) semaphore(%arg35 : memref<!tpu.dma_semaphore, #tpu.memory_space<semaphore_mem>>) {add = true}
      } else {
      }
      %add3A_485 = arith.constant 1 : i32
      %add3A_486 = arith.addi %add3A_447, %add3A_485 : i32
      %lt3A_487 = arith.constant 40 : i32
      %lt3A_488 = arith.cmpi slt, %add3A_486, %lt3A_487 : i32
      %convert_element_type3A_489 = arith.extui %lt3A_488 : i1 to i32
      %cond3A_490 = arith.constant 0 : i32
      %cond3A_491 = arith.cmpi ne, %convert_element_type3A_489, %cond3A_490 : i32
      scf.if %cond3A_491 {
        %dma_wait3A_504 = arith.constant 0 : i32
        %dma_wait3A_505 = tpu.memref_slice %arg3[%dma_wait3A_504] : memref<327680xi32, #tpu.memory_space<hbm>> -> memref<256xi32, #tpu.memory_space<hbm>>
        %dma_wait3A_506 = arith.constant 0 : i32
        %dma_wait3A_507 = tpu.memref_slice %arg3[%dma_wait3A_506] : memref<327680xi32, #tpu.memory_space<hbm>> -> memref<256xi32, #tpu.memory_space<hbm>>
        tpu.wait_dma2 semaphore(%arg33 : memref<!tpu.dma_semaphore, #tpu.memory_space<semaphore_mem>>) src(%dma_wait3A_507 : memref<256xi32, #tpu.memory_space<hbm>>) dst(%arg9 : memref<256xi32, #tpu.memory_space<vmem>>)
        %dma_wait3A_508 = arith.constant 0 : i32
        %dma_wait3A_509 = tpu.memref_slice %arg4[%dma_wait3A_508] : memref<163840xi32, #tpu.memory_space<hbm>> -> memref<64xi32, #tpu.memory_space<hbm>>
        %dma_wait3A_510 = arith.constant 0 : i32
        %dma_wait3A_511 = tpu.memref_slice %arg4[%dma_wait3A_510] : memref<163840xi32, #tpu.memory_space<hbm>> -> memref<64xi32, #tpu.memory_space<hbm>>
        tpu.wait_dma2 semaphore(%arg33 : memref<!tpu.dma_semaphore, #tpu.memory_space<semaphore_mem>>) src(%dma_wait3A_511 : memref<64xi32, #tpu.memory_space<hbm>>) dst(%arg11 : memref<64xi32, #tpu.memory_space<vmem>>)
        %dma_wait3A_512 = arith.constant 0 : i32
        %dma_wait3A_513 = tpu.memref_slice %arg4[%dma_wait3A_512] : memref<163840xi32, #tpu.memory_space<hbm>> -> memref<64xi32, #tpu.memory_space<hbm>>
        %dma_wait3A_514 = arith.constant 0 : i32
        %dma_wait3A_515 = tpu.memref_slice %arg4[%dma_wait3A_514] : memref<163840xi32, #tpu.memory_space<hbm>> -> memref<64xi32, #tpu.memory_space<hbm>>
        tpu.wait_dma2 semaphore(%arg33 : memref<!tpu.dma_semaphore, #tpu.memory_space<semaphore_mem>>) src(%dma_wait3A_515 : memref<64xi32, #tpu.memory_space<hbm>>) dst(%arg12 : memref<64xi32, #tpu.memory_space<vmem>>)
        %dma_wait3A_516 = arith.constant 0 : i32
        %dma_wait3A_517 = tpu.memref_slice %arg4[%dma_wait3A_516] : memref<163840xi32, #tpu.memory_space<hbm>> -> memref<64xi32, #tpu.memory_space<hbm>>
        %dma_wait3A_518 = arith.constant 0 : i32
        %dma_wait3A_519 = tpu.memref_slice %arg4[%dma_wait3A_518] : memref<163840xi32, #tpu.memory_space<hbm>> -> memref<64xi32, #tpu.memory_space<hbm>>
        tpu.wait_dma2 semaphore(%arg33 : memref<!tpu.dma_semaphore, #tpu.memory_space<semaphore_mem>>) src(%dma_wait3A_519 : memref<64xi32, #tpu.memory_space<hbm>>) dst(%arg13 : memref<64xi32, #tpu.memory_space<vmem>>)
        %dma_wait3A_520 = arith.constant 0 : i32
        %dma_wait3A_521 = tpu.memref_slice %arg4[%dma_wait3A_520] : memref<163840xi32, #tpu.memory_space<hbm>> -> memref<64xi32, #tpu.memory_space<hbm>>
        %dma_wait3A_522 = arith.constant 0 : i32
        %dma_wait3A_523 = tpu.memref_slice %arg4[%dma_wait3A_522] : memref<163840xi32, #tpu.memory_space<hbm>> -> memref<64xi32, #tpu.memory_space<hbm>>
        tpu.wait_dma2 semaphore(%arg33 : memref<!tpu.dma_semaphore, #tpu.memory_space<semaphore_mem>>) src(%dma_wait3A_523 : memref<64xi32, #tpu.memory_space<hbm>>) dst(%arg14 : memref<64xi32, #tpu.memory_space<vmem>>)
        %dma_wait3A_524 = arith.constant 0 : i32
        %dma_wait3A_525 = arith.constant 0 : i32
        %dma_wait3A_526 = tpu.memref_slice %arg7[%dma_wait3A_524, %dma_wait3A_525] : memref<10240x128xf32, #tpu.memory_space<vmem_shared>> -> memref<10240x128xf32, #tpu.memory_space<vmem_shared>>
        tpu.wait_indirect_dma semaphore(%arg29 : memref<!tpu.dma_semaphore, #tpu.memory_space<semaphore_mem>>) src(%arg19 : memref<64x128xf32, #tpu.memory_space<vmem>>) dst(%dma_wait3A_526 : memref<10240x128xf32, #tpu.memory_space<vmem_shared>>)
        %dma_start3A_527 = arith.constant 0 : i32
        %dma_start3A_528 = tpu.memref_slice %arg9[%dma_start3A_527] : memref<256xi32, #tpu.memory_space<vmem>> -> memref<64xi32, #tpu.memory_space<vmem>>
        %dma_start3A_529 = arith.constant 0 : i32
        %dma_start3A_530 = arith.constant 0 : i32
        %dma_start3A_531 = tpu.memref_slice %arg2[%dma_start3A_529, %dma_start3A_530] : memref<20008x128xf32, #tpu.memory_space<hbm>> -> memref<20008x128xf32, #tpu.memory_space<hbm>>
        tpu.enqueue_indirect_dma source(%dma_start3A_531 : memref<20008x128xf32, #tpu.memory_space<hbm>>) target(%arg19 : memref<64x128xf32, #tpu.memory_space<vmem>>) offsets(%dma_start3A_528 : memref<64xi32, #tpu.memory_space<vmem>>) semaphore(%arg25 : memref<!tpu.dma_semaphore, #tpu.memory_space<semaphore_mem>>)
        %dma_wait3A_532 = arith.constant 0 : i32
        %dma_wait3A_533 = arith.constant 0 : i32
        %dma_wait3A_534 = tpu.memref_slice %arg7[%dma_wait3A_532, %dma_wait3A_533] : memref<10240x128xf32, #tpu.memory_space<vmem_shared>> -> memref<10240x128xf32, #tpu.memory_space<vmem_shared>>
        tpu.wait_indirect_dma semaphore(%arg30 : memref<!tpu.dma_semaphore, #tpu.memory_space<semaphore_mem>>) src(%arg20 : memref<64x128xf32, #tpu.memory_space<vmem>>) dst(%dma_wait3A_534 : memref<10240x128xf32, #tpu.memory_space<vmem_shared>>)
        %dma_start3A_535 = arith.constant 64 : i32
        %dma_start3A_536 = tpu.memref_slice %arg9[%dma_start3A_535] : memref<256xi32, #tpu.memory_space<vmem>> -> memref<64xi32, #tpu.memory_space<vmem>>
        %dma_start3A_537 = arith.constant 0 : i32
        %dma_start3A_538 = arith.constant 0 : i32
        %dma_start3A_539 = tpu.memref_slice %arg2[%dma_start3A_537, %dma_start3A_538] : memref<20008x128xf32, #tpu.memory_space<hbm>> -> memref<20008x128xf32, #tpu.memory_space<hbm>>
        tpu.enqueue_indirect_dma source(%dma_start3A_539 : memref<20008x128xf32, #tpu.memory_space<hbm>>) target(%arg20 : memref<64x128xf32, #tpu.memory_space<vmem>>) offsets(%dma_start3A_536 : memref<64xi32, #tpu.memory_space<vmem>>) semaphore(%arg26 : memref<!tpu.dma_semaphore, #tpu.memory_space<semaphore_mem>>)
        %dma_wait3A_540 = arith.constant 0 : i32
        %dma_wait3A_541 = arith.constant 0 : i32
        %dma_wait3A_542 = tpu.memref_slice %arg7[%dma_wait3A_540, %dma_wait3A_541] : memref<10240x128xf32, #tpu.memory_space<vmem_shared>> -> memref<10240x128xf32, #tpu.memory_space<vmem_shared>>
        tpu.wait_indirect_dma semaphore(%arg31 : memref<!tpu.dma_semaphore, #tpu.memory_space<semaphore_mem>>) src(%arg21 : memref<64x128xf32, #tpu.memory_space<vmem>>) dst(%dma_wait3A_542 : memref<10240x128xf32, #tpu.memory_space<vmem_shared>>)
        %dma_start3A_543 = arith.constant 128 : i32
        %dma_start3A_544 = tpu.memref_slice %arg9[%dma_start3A_543] : memref<256xi32, #tpu.memory_space<vmem>> -> memref<64xi32, #tpu.memory_space<vmem>>
        %dma_start3A_545 = arith.constant 0 : i32
        %dma_start3A_546 = arith.constant 0 : i32
        %dma_start3A_547 = tpu.memref_slice %arg2[%dma_start3A_545, %dma_start3A_546] : memref<20008x128xf32, #tpu.memory_space<hbm>> -> memref<20008x128xf32, #tpu.memory_space<hbm>>
        tpu.enqueue_indirect_dma source(%dma_start3A_547 : memref<20008x128xf32, #tpu.memory_space<hbm>>) target(%arg21 : memref<64x128xf32, #tpu.memory_space<vmem>>) offsets(%dma_start3A_544 : memref<64xi32, #tpu.memory_space<vmem>>) semaphore(%arg27 : memref<!tpu.dma_semaphore, #tpu.memory_space<semaphore_mem>>)
        %dma_wait3A_548 = arith.constant 0 : i32
        %dma_wait3A_549 = arith.constant 0 : i32
        %dma_wait3A_550 = tpu.memref_slice %arg7[%dma_wait3A_548, %dma_wait3A_549] : memref<10240x128xf32, #tpu.memory_space<vmem_shared>> -> memref<10240x128xf32, #tpu.memory_space<vmem_shared>>
        tpu.wait_indirect_dma semaphore(%arg32 : memref<!tpu.dma_semaphore, #tpu.memory_space<semaphore_mem>>) src(%arg22 : memref<64x128xf32, #tpu.memory_space<vmem>>) dst(%dma_wait3A_550 : memref<10240x128xf32, #tpu.memory_space<vmem_shared>>)
        %dma_start3A_551 = arith.constant 192 : i32
        %dma_start3A_552 = tpu.memref_slice %arg9[%dma_start3A_551] : memref<256xi32, #tpu.memory_space<vmem>> -> memref<64xi32, #tpu.memory_space<vmem>>
        %dma_start3A_553 = arith.constant 0 : i32
        %dma_start3A_554 = arith.constant 0 : i32
        %dma_start3A_555 = tpu.memref_slice %arg2[%dma_start3A_553, %dma_start3A_554] : memref<20008x128xf32, #tpu.memory_space<hbm>> -> memref<20008x128xf32, #tpu.memory_space<hbm>>
        tpu.enqueue_indirect_dma source(%dma_start3A_555 : memref<20008x128xf32, #tpu.memory_space<hbm>>) target(%arg22 : memref<64x128xf32, #tpu.memory_space<vmem>>) offsets(%dma_start3A_552 : memref<64xi32, #tpu.memory_space<vmem>>) semaphore(%arg28 : memref<!tpu.dma_semaphore, #tpu.memory_space<semaphore_mem>>)
      } else {
      }
      %eq3A_492 = arith.constant 0 : i32
      %eq3A_493 = arith.cmpi eq, %arg0, %eq3A_492 : i32
      %convert_element_type3A_494 = arith.extui %eq3A_493 : i1 to i32
      %cond3A_495 = arith.constant 0 : i32
      %cond3A_496 = arith.cmpi ne, %convert_element_type3A_494, %cond3A_495 : i32
      scf.if %cond3A_496 {
        %dma_wait3A_504 = arith.constant 0 : i32
        %dma_wait3A_505 = tpu.memref_slice %arg8[%dma_wait3A_504] : memref<10240xf32, #tpu.memory_space<vmem_shared>> -> memref<10240xf32, #tpu.memory_space<vmem_shared>>
        tpu.wait_indirect_dma semaphore(%arg35 : memref<!tpu.dma_semaphore, #tpu.memory_space<semaphore_mem>>) src(%arg23 : memref<64xf32, #tpu.memory_space<vmem>>) dst(%dma_wait3A_505 : memref<10240xf32, #tpu.memory_space<vmem_shared>>)
        %dma_wait3A_506 = arith.constant 0 : i32
        %dma_wait3A_507 = tpu.memref_slice %arg8[%dma_wait3A_506] : memref<10240xf32, #tpu.memory_space<vmem_shared>> -> memref<10240xf32, #tpu.memory_space<vmem_shared>>
        tpu.wait_indirect_dma semaphore(%arg35 : memref<!tpu.dma_semaphore, #tpu.memory_space<semaphore_mem>>) src(%arg23 : memref<64xf32, #tpu.memory_space<vmem>>) dst(%dma_wait3A_507 : memref<10240xf32, #tpu.memory_space<vmem_shared>>)
        %dma_wait3A_508 = arith.constant 0 : i32
        %dma_wait3A_509 = tpu.memref_slice %arg8[%dma_wait3A_508] : memref<10240xf32, #tpu.memory_space<vmem_shared>> -> memref<10240xf32, #tpu.memory_space<vmem_shared>>
        tpu.wait_indirect_dma semaphore(%arg35 : memref<!tpu.dma_semaphore, #tpu.memory_space<semaphore_mem>>) src(%arg23 : memref<64xf32, #tpu.memory_space<vmem>>) dst(%dma_wait3A_509 : memref<10240xf32, #tpu.memory_space<vmem_shared>>)
        %dma_wait3A_510 = arith.constant 0 : i32
        %dma_wait3A_511 = tpu.memref_slice %arg8[%dma_wait3A_510] : memref<10240xf32, #tpu.memory_space<vmem_shared>> -> memref<10240xf32, #tpu.memory_space<vmem_shared>>
        tpu.wait_indirect_dma semaphore(%arg35 : memref<!tpu.dma_semaphore, #tpu.memory_space<semaphore_mem>>) src(%arg23 : memref<64xf32, #tpu.memory_space<vmem>>) dst(%dma_wait3A_511 : memref<10240xf32, #tpu.memory_space<vmem_shared>>)
      } else {
      }
      %add3A_497 = arith.constant 2 : i32
      %add3A_498 = arith.addi %add3A_447, %add3A_497 : i32
      %lt3A_499 = arith.constant 40 : i32
      %lt3A_500 = arith.cmpi slt, %add3A_498, %lt3A_499 : i32
      %convert_element_type3A_501 = arith.extui %lt3A_500 : i1 to i32
      %cond3A_502 = arith.constant 0 : i32
      %cond3A_503 = arith.cmpi ne, %convert_element_type3A_501, %cond3A_502 : i32
      scf.if %cond3A_503 {
        %add3A_504 = arith.constant 2 : i32
        %add3A_505 = arith.addi %add3A_447, %add3A_504 : i32
        %mul3A_506 = arith.constant 10240 : i32
        %mul3A_507 = arith.muli %arg1, %mul3A_506 : i32
        %mul3A_508 = arith.constant 256 : i32
        %mul3A_509 = arith.muli %add3A_505, %mul3A_508 : i32
        %add3A_510 = arith.addi %mul3A_507, %mul3A_509 : i32
        %mul3A_511 = arith.constant 163840 : i32
        %mul3A_512 = arith.muli %arg0, %mul3A_511 : i32
        %add3A_513 = arith.addi %mul3A_512, %add3A_510 : i32
        %dma_start3A_514 = tpu.memref_slice %arg3[%add3A_513] : memref<327680xi32, #tpu.memory_space<hbm>> -> memref<256xi32, #tpu.memory_space<hbm>>
        %dma_start3A_515 = tpu.memref_slice %arg3[%add3A_513] : memref<327680xi32, #tpu.memory_space<hbm>> -> memref<256xi32, #tpu.memory_space<hbm>>
        tpu.enqueue_dma source(%dma_start3A_515 : memref<256xi32, #tpu.memory_space<hbm>>) target(%arg10 : memref<256xi32, #tpu.memory_space<vmem>>) target_semaphore(%arg34 : memref<!tpu.dma_semaphore, #tpu.memory_space<semaphore_mem>>)
        %add3A_516 = arith.constant 0 : i32
        %add3A_517 = arith.addi %add3A_510, %add3A_516 : i32
        %dma_start3A_518 = tpu.memref_slice %arg4[%add3A_517] : memref<163840xi32, #tpu.memory_space<hbm>> -> memref<64xi32, #tpu.memory_space<hbm>>
        %dma_start3A_519 = tpu.memref_slice %arg4[%add3A_517] : memref<163840xi32, #tpu.memory_space<hbm>> -> memref<64xi32, #tpu.memory_space<hbm>>
        tpu.enqueue_dma source(%dma_start3A_519 : memref<64xi32, #tpu.memory_space<hbm>>) target(%arg15 : memref<64xi32, #tpu.memory_space<vmem>>) target_semaphore(%arg34 : memref<!tpu.dma_semaphore, #tpu.memory_space<semaphore_mem>>)
        %add3A_520 = arith.constant 64 : i32
        %add3A_521 = arith.addi %add3A_510, %add3A_520 : i32
        %dma_start3A_522 = tpu.memref_slice %arg4[%add3A_521] : memref<163840xi32, #tpu.memory_space<hbm>> -> memref<64xi32, #tpu.memory_space<hbm>>
        %dma_start3A_523 = tpu.memref_slice %arg4[%add3A_521] : memref<163840xi32, #tpu.memory_space<hbm>> -> memref<64xi32, #tpu.memory_space<hbm>>
        tpu.enqueue_dma source(%dma_start3A_523 : memref<64xi32, #tpu.memory_space<hbm>>) target(%arg16 : memref<64xi32, #tpu.memory_space<vmem>>) target_semaphore(%arg34 : memref<!tpu.dma_semaphore, #tpu.memory_space<semaphore_mem>>)
        %add3A_524 = arith.constant 128 : i32
        %add3A_525 = arith.addi %add3A_510, %add3A_524 : i32
        %dma_start3A_526 = tpu.memref_slice %arg4[%add3A_525] : memref<163840xi32, #tpu.memory_space<hbm>> -> memref<64xi32, #tpu.memory_space<hbm>>
        %dma_start3A_527 = tpu.memref_slice %arg4[%add3A_525] : memref<163840xi32, #tpu.memory_space<hbm>> -> memref<64xi32, #tpu.memory_space<hbm>>
        tpu.enqueue_dma source(%dma_start3A_527 : memref<64xi32, #tpu.memory_space<hbm>>) target(%arg17 : memref<64xi32, #tpu.memory_space<vmem>>) target_semaphore(%arg34 : memref<!tpu.dma_semaphore, #tpu.memory_space<semaphore_mem>>)
        %add3A_528 = arith.constant 192 : i32
        %add3A_529 = arith.addi %add3A_510, %add3A_528 : i32
        %dma_start3A_530 = tpu.memref_slice %arg4[%add3A_529] : memref<163840xi32, #tpu.memory_space<hbm>> -> memref<64xi32, #tpu.memory_space<hbm>>
        %dma_start3A_531 = tpu.memref_slice %arg4[%add3A_529] : memref<163840xi32, #tpu.memory_space<hbm>> -> memref<64xi32, #tpu.memory_space<hbm>>
        tpu.enqueue_dma source(%dma_start3A_531 : memref<64xi32, #tpu.memory_space<hbm>>) target(%arg18 : memref<64xi32, #tpu.memory_space<vmem>>) target_semaphore(%arg34 : memref<!tpu.dma_semaphore, #tpu.memory_space<semaphore_mem>>)
      } else {
      }
    }
    %scan3A_363 = arith.constant 20 : i32
    %dma_wait3A_364 = arith.constant 0 : i32
    %dma_wait3A_365 = arith.constant 0 : i32
    %dma_wait3A_366 = tpu.memref_slice %arg7[%dma_wait3A_364, %dma_wait3A_365] : memref<10240x128xf32, #tpu.memory_space<vmem_shared>> -> memref<10240x128xf32, #tpu.memory_space<vmem_shared>>
    tpu.wait_indirect_dma semaphore(%arg29 : memref<!tpu.dma_semaphore, #tpu.memory_space<semaphore_mem>>) src(%arg19 : memref<64x128xf32, #tpu.memory_space<vmem>>) dst(%dma_wait3A_366 : memref<10240x128xf32, #tpu.memory_space<vmem_shared>>)
    %dma_wait3A_367 = arith.constant 0 : i32
    %dma_wait3A_368 = arith.constant 0 : i32
    %dma_wait3A_369 = tpu.memref_slice %arg7[%dma_wait3A_367, %dma_wait3A_368] : memref<10240x128xf32, #tpu.memory_space<vmem_shared>> -> memref<10240x128xf32, #tpu.memory_space<vmem_shared>>
    tpu.wait_indirect_dma semaphore(%arg30 : memref<!tpu.dma_semaphore, #tpu.memory_space<semaphore_mem>>) src(%arg20 : memref<64x128xf32, #tpu.memory_space<vmem>>) dst(%dma_wait3A_369 : memref<10240x128xf32, #tpu.memory_space<vmem_shared>>)
    %dma_wait3A_370 = arith.constant 0 : i32
    %dma_wait3A_371 = arith.constant 0 : i32
    %dma_wait3A_372 = tpu.memref_slice %arg7[%dma_wait3A_370, %dma_wait3A_371] : memref<10240x128xf32, #tpu.memory_space<vmem_shared>> -> memref<10240x128xf32, #tpu.memory_space<vmem_shared>>
    tpu.wait_indirect_dma semaphore(%arg31 : memref<!tpu.dma_semaphore, #tpu.memory_space<semaphore_mem>>) src(%arg21 : memref<64x128xf32, #tpu.memory_space<vmem>>) dst(%dma_wait3A_372 : memref<10240x128xf32, #tpu.memory_space<vmem_shared>>)
    %dma_wait3A_373 = arith.constant 0 : i32
    %dma_wait3A_374 = arith.constant 0 : i32
    %dma_wait3A_375 = tpu.memref_slice %arg7[%dma_wait3A_373, %dma_wait3A_374] : memref<10240x128xf32, #tpu.memory_space<vmem_shared>> -> memref<10240x128xf32, #tpu.memory_space<vmem_shared>>
    tpu.wait_indirect_dma semaphore(%arg32 : memref<!tpu.dma_semaphore, #tpu.memory_space<semaphore_mem>>) src(%arg22 : memref<64x128xf32, #tpu.memory_space<vmem>>) dst(%dma_wait3A_375 : memref<10240x128xf32, #tpu.memory_space<vmem_shared>>)
    %barrier3A_376 = arith.constant 0 : index
    tpu.barrier barrier_id(%barrier3A_376)
    %lt3A = arith.constant 15 : i32
    %lt3A_377 = arith.cmpi slt, %arg1, %lt3A : i32
    %convert_element_type3A = arith.extui %lt3A_377 : i1 to i32
    %cond3A = arith.constant 0 : i32
    %cond3A_378 = arith.cmpi ne, %convert_element_type3A, %cond3A : i32
    scf.if %cond3A_378 {
      %mul3A_383 = arith.constant 632 : i32
      %mul3A_384 = arith.muli %arg1, %mul3A_383 : i32
      %mul3A_385 = arith.constant 10000 : i32
      %mul3A_386 = arith.muli %arg0, %mul3A_385 : i32
      %mul3A_387 = arith.constant 632 : i32
      %mul3A_388 = arith.muli %arg1, %mul3A_387 : i32
      %add3A_389 = arith.addi %mul3A_386, %mul3A_388 : i32
      "tpu.region"() ({
        %run_scoped3A = tpu.sem_alloc : memref<!tpu.dma_semaphore, #tpu.memory_space<semaphore_mem>>
        %dma_start3A_395 = arith.constant 0 : i32
        %dma_start3A_396 = tpu.memref_slice %arg5[%add3A_389, %dma_start3A_395] : memref<20000x128xf32, #tpu.memory_space<hbm>> -> memref<632x128xf32, #tpu.memory_space<hbm>>
        %dma_start3A_397 = arith.constant 0 : i32
        %dma_start3A_398 = tpu.memref_slice %arg7[%mul3A_384, %dma_start3A_397] : memref<10240x128xf32, #tpu.memory_space<vmem_shared>> -> memref<632x128xf32, #tpu.memory_space<vmem_shared>>
        tpu.enqueue_dma source(%dma_start3A_398 : memref<632x128xf32, #tpu.memory_space<vmem_shared>>) target(%dma_start3A_396 : memref<632x128xf32, #tpu.memory_space<hbm>>) target_semaphore(%run_scoped3A : memref<!tpu.dma_semaphore, #tpu.memory_space<semaphore_mem>>)
        %dma_wait3A_399 = arith.constant 0 : i32
        %dma_wait3A_400 = tpu.memref_slice %arg5[%add3A_389, %dma_wait3A_399] : memref<20000x128xf32, #tpu.memory_space<hbm>> -> memref<632x128xf32, #tpu.memory_space<hbm>>
        %dma_wait3A_401 = arith.constant 0 : i32
        %dma_wait3A_402 = tpu.memref_slice %arg7[%mul3A_384, %dma_wait3A_401] : memref<10240x128xf32, #tpu.memory_space<vmem_shared>> -> memref<632x128xf32, #tpu.memory_space<vmem_shared>>
        tpu.wait_dma2 semaphore(%run_scoped3A : memref<!tpu.dma_semaphore, #tpu.memory_space<semaphore_mem>>) src(%dma_wait3A_402 : memref<632x128xf32, #tpu.memory_space<vmem_shared>>) dst(%dma_wait3A_400 : memref<632x128xf32, #tpu.memory_space<hbm>>)
        tpu.yield
      }) : () -> ()
      %eq3A_390 = arith.constant 0 : i32
      %eq3A_391 = arith.cmpi eq, %arg0, %eq3A_390 : i32
      %convert_element_type3A_392 = arith.extui %eq3A_391 : i1 to i32
      %cond3A_393 = arith.constant 0 : i32
      %cond3A_394 = arith.cmpi ne, %convert_element_type3A_392, %cond3A_393 : i32
      scf.if %cond3A_394 {
        %mul3A_395 = arith.constant 632 : i32
        %mul3A_396 = arith.muli %arg1, %mul3A_395 : i32
        "tpu.region"() ({
          %run_scoped3A = tpu.sem_alloc : memref<!tpu.dma_semaphore, #tpu.memory_space<semaphore_mem>>
          %dma_start3A_399 = arith.constant 0 : i32
          %dma_start3A_400 = tpu.memref_slice %arg24[%dma_start3A_399] : memref<640xf32, #tpu.memory_space<vmem>> -> memref<632xf32, #tpu.memory_space<vmem>>
          %dma_start3A_401 = tpu.memref_slice %arg8[%mul3A_396] : memref<10240xf32, #tpu.memory_space<vmem_shared>> -> memref<632xf32, #tpu.memory_space<vmem_shared>>
          %dma_start3A_402 = arith.constant 0 : i32
          %dma_start3A_403 = tpu.memref_slice %arg24[%dma_start3A_402] : memref<640xf32, #tpu.memory_space<vmem>> -> memref<632xf32, #tpu.memory_space<vmem>>
          %dma_start3A_404 = tpu.memref_slice %arg8[%mul3A_396] : memref<10240xf32, #tpu.memory_space<vmem_shared>> -> memref<632xf32, #tpu.memory_space<vmem_shared>>
          tpu.enqueue_dma source(%dma_start3A_404 : memref<632xf32, #tpu.memory_space<vmem_shared>>) target(%dma_start3A_403 : memref<632xf32, #tpu.memory_space<vmem>>) target_semaphore(%run_scoped3A : memref<!tpu.dma_semaphore, #tpu.memory_space<semaphore_mem>>)
          %dma_wait3A_405 = arith.constant 0 : i32
          %dma_wait3A_406 = tpu.memref_slice %arg24[%dma_wait3A_405] : memref<640xf32, #tpu.memory_space<vmem>> -> memref<632xf32, #tpu.memory_space<vmem>>
          %dma_wait3A_407 = tpu.memref_slice %arg8[%mul3A_396] : memref<10240xf32, #tpu.memory_space<vmem_shared>> -> memref<632xf32, #tpu.memory_space<vmem_shared>>
          %dma_wait3A_408 = arith.constant 0 : i32
          %dma_wait3A_409 = tpu.memref_slice %arg24[%dma_wait3A_408] : memref<640xf32, #tpu.memory_space<vmem>> -> memref<632xf32, #tpu.memory_space<vmem>>
          %dma_wait3A_410 = tpu.memref_slice %arg8[%mul3A_396] : memref<10240xf32, #tpu.memory_space<vmem_shared>> -> memref<632xf32, #tpu.memory_space<vmem_shared>>
          tpu.wait_dma2 semaphore(%run_scoped3A : memref<!tpu.dma_semaphore, #tpu.memory_space<semaphore_mem>>) src(%dma_wait3A_410 : memref<632xf32, #tpu.memory_space<vmem_shared>>) dst(%dma_wait3A_409 : memref<632xf32, #tpu.memory_space<vmem>>)
          tpu.yield
        }) : () -> ()
        %mul3A_397 = arith.constant 632 : i32
        %mul3A_398 = arith.muli %arg1, %mul3A_397 : i32
        "tpu.region"() ({
          %run_scoped3A = tpu.sem_alloc : memref<!tpu.dma_semaphore, #tpu.memory_space<semaphore_mem>>
          %dma_start3A_399 = arith.constant 0 : i32
          %dma_start3A_400 = tpu.memref_slice %arg24[%dma_start3A_399] : memref<640xf32, #tpu.memory_space<vmem>> -> memref<632xf32, #tpu.memory_space<vmem>>
          %dma_start3A_401 = tpu.memref_slice %arg6[%mul3A_398] : memref<10000xf32, #tpu.memory_space<hbm>> -> memref<632xf32, #tpu.memory_space<hbm>>
          %dma_start3A_402 = tpu.memref_slice %arg6[%mul3A_398] : memref<10000xf32, #tpu.memory_space<hbm>> -> memref<632xf32, #tpu.memory_space<hbm>>
          %dma_start3A_403 = arith.constant 0 : i32
          %dma_start3A_404 = tpu.memref_slice %arg24[%dma_start3A_403] : memref<640xf32, #tpu.memory_space<vmem>> -> memref<632xf32, #tpu.memory_space<vmem>>
          tpu.enqueue_dma source(%dma_start3A_404 : memref<632xf32, #tpu.memory_space<vmem>>) target(%dma_start3A_402 : memref<632xf32, #tpu.memory_space<hbm>>) target_semaphore(%run_scoped3A : memref<!tpu.dma_semaphore, #tpu.memory_space<semaphore_mem>>)
          %dma_wait3A_405 = arith.constant 0 : i32
          %dma_wait3A_406 = tpu.memref_slice %arg24[%dma_wait3A_405] : memref<640xf32, #tpu.memory_space<vmem>> -> memref<632xf32, #tpu.memory_space<vmem>>
          %dma_wait3A_407 = tpu.memref_slice %arg6[%mul3A_398] : memref<10000xf32, #tpu.memory_space<hbm>> -> memref<632xf32, #tpu.memory_space<hbm>>
          %dma_wait3A_408 = tpu.memref_slice %arg6[%mul3A_398] : memref<10000xf32, #tpu.memory_space<hbm>> -> memref<632xf32, #tpu.memory_space<hbm>>
          %dma_wait3A_409 = arith.constant 0 : i32
          %dma_wait3A_410 = tpu.memref_slice %arg24[%dma_wait3A_409] : memref<640xf32, #tpu.memory_space<vmem>> -> memref<632xf32, #tpu.memory_space<vmem>>
          tpu.wait_dma2 semaphore(%run_scoped3A : memref<!tpu.dma_semaphore, #tpu.memory_space<semaphore_mem>>) src(%dma_wait3A_410 : memref<632xf32, #tpu.memory_space<vmem>>) dst(%dma_wait3A_408 : memref<632xf32, #tpu.memory_space<hbm>>)
          tpu.yield
        }) : () -> ()
      } else {
      }
    } else {
    }
    %eq3A = arith.constant 15 : i32
    %eq3A_379 = arith.cmpi eq, %arg1, %eq3A : i32
    %convert_element_type3A_380 = arith.extui %eq3A_379 : i1 to i32
    %cond3A_381 = arith.constant 0 : i32
    %cond3A_382 = arith.cmpi ne, %convert_element_type3A_380, %cond3A_381 : i32
    scf.if %cond3A_382 {
      %mul3A_383 = arith.constant 10000 : i32
      %mul3A_384 = arith.muli %arg0, %mul3A_383 : i32
      %add3A_385 = arith.constant 9480 : i32
      %add3A_386 = arith.addi %mul3A_384, %add3A_385 : i32
      "tpu.region"() ({
        %run_scoped3A = tpu.sem_alloc : memref<!tpu.dma_semaphore, #tpu.memory_space<semaphore_mem>>
        %dma_start3A_392 = arith.constant 0 : i32
        %dma_start3A_393 = tpu.memref_slice %arg5[%add3A_386, %dma_start3A_392] : memref<20000x128xf32, #tpu.memory_space<hbm>> -> memref<520x128xf32, #tpu.memory_space<hbm>>
        %dma_start3A_394 = arith.constant 9480 : i32
        %dma_start3A_395 = arith.constant 0 : i32
        %dma_start3A_396 = tpu.memref_slice %arg7[%dma_start3A_394, %dma_start3A_395] : memref<10240x128xf32, #tpu.memory_space<vmem_shared>> -> memref<520x128xf32, #tpu.memory_space<vmem_shared>>
        tpu.enqueue_dma source(%dma_start3A_396 : memref<520x128xf32, #tpu.memory_space<vmem_shared>>) target(%dma_start3A_393 : memref<520x128xf32, #tpu.memory_space<hbm>>) target_semaphore(%run_scoped3A : memref<!tpu.dma_semaphore, #tpu.memory_space<semaphore_mem>>)
        %dma_wait3A_397 = arith.constant 0 : i32
        %dma_wait3A_398 = tpu.memref_slice %arg5[%add3A_386, %dma_wait3A_397] : memref<20000x128xf32, #tpu.memory_space<hbm>> -> memref<520x128xf32, #tpu.memory_space<hbm>>
        %dma_wait3A_399 = arith.constant 9480 : i32
        %dma_wait3A_400 = arith.constant 0 : i32
        %dma_wait3A_401 = tpu.memref_slice %arg7[%dma_wait3A_399, %dma_wait3A_400] : memref<10240x128xf32, #tpu.memory_space<vmem_shared>> -> memref<520x128xf32, #tpu.memory_space<vmem_shared>>
        tpu.wait_dma2 semaphore(%run_scoped3A : memref<!tpu.dma_semaphore, #tpu.memory_space<semaphore_mem>>) src(%dma_wait3A_401 : memref<520x128xf32, #tpu.memory_space<vmem_shared>>) dst(%dma_wait3A_398 : memref<520x128xf32, #tpu.memory_space<hbm>>)
        tpu.yield
      }) : () -> ()
      %eq3A_387 = arith.constant 0 : i32
      %eq3A_388 = arith.cmpi eq, %arg0, %eq3A_387 : i32
      %convert_element_type3A_389 = arith.extui %eq3A_388 : i1 to i32
      %cond3A_390 = arith.constant 0 : i32
      %cond3A_391 = arith.cmpi ne, %convert_element_type3A_389, %cond3A_390 : i32
      scf.if %cond3A_391 {
        "tpu.region"() ({
          %run_scoped3A = tpu.sem_alloc : memref<!tpu.dma_semaphore, #tpu.memory_space<semaphore_mem>>
          %dma_start3A_392 = arith.constant 0 : i32
          %dma_start3A_393 = tpu.memref_slice %arg24[%dma_start3A_392] : memref<640xf32, #tpu.memory_space<vmem>> -> memref<520xf32, #tpu.memory_space<vmem>>
          %dma_start3A_394 = arith.constant 9480 : i32
          %dma_start3A_395 = tpu.memref_slice %arg8[%dma_start3A_394] : memref<10240xf32, #tpu.memory_space<vmem_shared>> -> memref<520xf32, #tpu.memory_space<vmem_shared>>
          %dma_start3A_396 = arith.constant 0 : i32
          %dma_start3A_397 = tpu.memref_slice %arg24[%dma_start3A_396] : memref<640xf32, #tpu.memory_space<vmem>> -> memref<520xf32, #tpu.memory_space<vmem>>
          %dma_start3A_398 = arith.constant 9480 : i32
          %dma_start3A_399 = tpu.memref_slice %arg8[%dma_start3A_398] : memref<10240xf32, #tpu.memory_space<vmem_shared>> -> memref<520xf32, #tpu.memory_space<vmem_shared>>
          tpu.enqueue_dma source(%dma_start3A_399 : memref<520xf32, #tpu.memory_space<vmem_shared>>) target(%dma_start3A_397 : memref<520xf32, #tpu.memory_space<vmem>>) target_semaphore(%run_scoped3A : memref<!tpu.dma_semaphore, #tpu.memory_space<semaphore_mem>>)
          %dma_wait3A_400 = arith.constant 0 : i32
          %dma_wait3A_401 = tpu.memref_slice %arg24[%dma_wait3A_400] : memref<640xf32, #tpu.memory_space<vmem>> -> memref<520xf32, #tpu.memory_space<vmem>>
          %dma_wait3A_402 = arith.constant 9480 : i32
          %dma_wait3A_403 = tpu.memref_slice %arg8[%dma_wait3A_402] : memref<10240xf32, #tpu.memory_space<vmem_shared>> -> memref<520xf32, #tpu.memory_space<vmem_shared>>
          %dma_wait3A_404 = arith.constant 0 : i32
          %dma_wait3A_405 = tpu.memref_slice %arg24[%dma_wait3A_404] : memref<640xf32, #tpu.memory_space<vmem>> -> memref<520xf32, #tpu.memory_space<vmem>>
          %dma_wait3A_406 = arith.constant 9480 : i32
          %dma_wait3A_407 = tpu.memref_slice %arg8[%dma_wait3A_406] : memref<10240xf32, #tpu.memory_space<vmem_shared>> -> memref<520xf32, #tpu.memory_space<vmem_shared>>
          tpu.wait_dma2 semaphore(%run_scoped3A : memref<!tpu.dma_semaphore, #tpu.memory_space<semaphore_mem>>) src(%dma_wait3A_407 : memref<520xf32, #tpu.memory_space<vmem_shared>>) dst(%dma_wait3A_405 : memref<520xf32, #tpu.memory_space<vmem>>)
          tpu.yield
        }) : () -> ()
        "tpu.region"() ({
          %run_scoped3A = tpu.sem_alloc : memref<!tpu.dma_semaphore, #tpu.memory_space<semaphore_mem>>
          %dma_start3A_392 = arith.constant 0 : i32
          %dma_start3A_393 = tpu.memref_slice %arg24[%dma_start3A_392] : memref<640xf32, #tpu.memory_space<vmem>> -> memref<520xf32, #tpu.memory_space<vmem>>
          %dma_start3A_394 = arith.constant 9480 : i32
          %dma_start3A_395 = tpu.memref_slice %arg6[%dma_start3A_394] : memref<10000xf32, #tpu.memory_space<hbm>> -> memref<520xf32, #tpu.memory_space<hbm>>
          %dma_start3A_396 = arith.constant 9480 : i32
          %dma_start3A_397 = tpu.memref_slice %arg6[%dma_start3A_396] : memref<10000xf32, #tpu.memory_space<hbm>> -> memref<520xf32, #tpu.memory_space<hbm>>
          %dma_start3A_398 = arith.constant 0 : i32
          %dma_start3A_399 = tpu.memref_slice %arg24[%dma_start3A_398] : memref<640xf32, #tpu.memory_space<vmem>> -> memref<520xf32, #tpu.memory_space<vmem>>
          tpu.enqueue_dma source(%dma_start3A_399 : memref<520xf32, #tpu.memory_space<vmem>>) target(%dma_start3A_397 : memref<520xf32, #tpu.memory_space<hbm>>) target_semaphore(%run_scoped3A : memref<!tpu.dma_semaphore, #tpu.memory_space<semaphore_mem>>)
          %dma_wait3A_400 = arith.constant 0 : i32
          %dma_wait3A_401 = tpu.memref_slice %arg24[%dma_wait3A_400] : memref<640xf32, #tpu.memory_space<vmem>> -> memref<520xf32, #tpu.memory_space<vmem>>
          %dma_wait3A_402 = arith.constant 9480 : i32
          %dma_wait3A_403 = tpu.memref_slice %arg6[%dma_wait3A_402] : memref<10000xf32, #tpu.memory_space<hbm>> -> memref<520xf32, #tpu.memory_space<hbm>>
          %dma_wait3A_404 = arith.constant 9480 : i32
          %dma_wait3A_405 = tpu.memref_slice %arg6[%dma_wait3A_404] : memref<10000xf32, #tpu.memory_space<hbm>> -> memref<520xf32, #tpu.memory_space<hbm>>
          %dma_wait3A_406 = arith.constant 0 : i32
          %dma_wait3A_407 = tpu.memref_slice %arg24[%dma_wait3A_406] : memref<640xf32, #tpu.memory_space<vmem>> -> memref<520xf32, #tpu.memory_space<vmem>>
          tpu.wait_dma2 semaphore(%run_scoped3A : memref<!tpu.dma_semaphore, #tpu.memory_space<semaphore_mem>>) src(%dma_wait3A_407 : memref<520xf32, #tpu.memory_space<vmem>>) dst(%dma_wait3A_405 : memref<520xf32, #tpu.memory_space<hbm>>)
          tpu.yield
        }) : () -> ()
      } else {
      }
    } else {
    }
    return
  }
}

module attributes {stable_mosaic.version = 14 : i64} {
  func.func @_tc_body(%arg0: i32, %arg1: memref<1000x256xf32, #tpu.memory_space<vmem>>, %arg2: memref<1000x128xf32, #tpu.memory_space<vmem>>, %arg3: memref<1000x128xf32, #tpu.memory_space<vmem>>, %arg4: memref<1000x1xf32, #tpu.memory_space<vmem>>, %arg5: memref<256x512xf32, #tpu.memory_space<vmem>>, %arg6: memref<256x512xf32, #tpu.memory_space<vmem>>, %arg7: memref<1x512xf32, #tpu.memory_space<vmem>>, %arg8: memref<1000x512xf32, #tpu.memory_space<vmem>>) attributes {dimension_semantics = [#tpu.dimension_semantics<arbitrary>], iteration_bounds = array<i64: 10>, scalar_prefetch = 0 : i64, scratch_operands = 0 : i64, tpu.core_type = #tpu.core_type<tc>, window_params = [{transform_indices = @transform_0, window_bounds = array<i64: 1000, 256>}, {transform_indices = @transform_1, window_bounds = array<i64: 1000, 128>}, {transform_indices = @transform_2, window_bounds = array<i64: 1000, 128>}, {transform_indices = @transform_3, window_bounds = array<i64: 1000, 1>}, {pipeline_mode = #tpu.pipeline_mode<synchronous>, transform_indices = @transform_4, window_bounds = array<i64: 256, 512>}, {pipeline_mode = #tpu.pipeline_mode<synchronous>, transform_indices = @transform_5, window_bounds = array<i64: 256, 512>}, {pipeline_mode = #tpu.pipeline_mode<synchronous>, transform_indices = @transform_6, window_bounds = array<i64: 1, 512>}, {transform_indices = @transform_7, window_bounds = array<i64: 1000, 512>}]} {
    %get3A = arith.constant 0 : index
    %get3A_0 = arith.constant 0 : index
    %get3A_1 = vector.load %arg4[%get3A, %get3A_0] : memref<1000x1xf32, #tpu.memory_space<vmem>>, vector<1000x1xf32>
    %max3A = arith.constant 1.000000e+00 : f32
    %max3A_2 = vector.broadcast %max3A : f32 to vector<1000x1xf32>
    %max3A_3 = arith.maximumf %get3A_1, %max3A_2 : vector<1000x1xf32>
    %div3A = arith.constant 1.000000e+00 : f32
    %div3A_4 = vector.broadcast %div3A : f32 to vector<1000x1xf32>
    %div3A_5 = arith.divf %div3A_4, %max3A_3 : vector<1000x1xf32>
    %get3A_6 = arith.constant 0 : index
    %get3A_7 = arith.constant 0 : index
    %get3A_8 = vector.load %arg2[%get3A_6, %get3A_7] : memref<1000x128xf32, #tpu.memory_space<vmem>>, vector<1000x128xf32>
    %mul3A = vector.broadcast %div3A_5 : vector<1000x1xf32> to vector<1000x128xf32>
    %mul3A_9 = arith.mulf %get3A_8, %mul3A : vector<1000x128xf32>
    %get3A_10 = arith.constant 0 : index
    %get3A_11 = arith.constant 0 : index
    %get3A_12 = vector.load %arg3[%get3A_10, %get3A_11] : memref<1000x128xf32, #tpu.memory_space<vmem>>, vector<1000x128xf32>
    %mul3A_13 = vector.broadcast %div3A_5 : vector<1000x1xf32> to vector<1000x128xf32>
    %mul3A_14 = arith.mulf %get3A_12, %mul3A_13 : vector<1000x128xf32>
    %concatenate3A = tpu.concatenate %mul3A_9, %mul3A_14 in 1 : vector<1000x128xf32>, vector<1000x128xf32> -> vector<1000x256xf32>
    %get3A_15 = arith.constant 0 : index
    %get3A_16 = arith.constant 0 : index
    %get3A_17 = vector.load %arg1[%get3A_15, %get3A_16] : memref<1000x256xf32, #tpu.memory_space<vmem>>, vector<1000x256xf32>
    %get3A_18 = arith.constant 0 : index
    %get3A_19 = arith.constant 0 : index
    %get3A_20 = vector.load %arg5[%get3A_18, %get3A_19] : memref<256x512xf32, #tpu.memory_space<vmem>>, vector<256x512xf32>
    %dot_general3A = arith.constant dense<0.000000e+00> : vector<1000x512xf32>
    %dot_general3A_21 = tpu.matmul %get3A_17, %get3A_20, %dot_general3A {dimension_numbers = #tpu.dot_dimension_numbers<[1], [0], [0], [1], [0, 0, 1, 1], [], []>, transpose_lhs_hint = false} : vector<1000x256xf32>, vector<256x512xf32>, vector<1000x512xf32> -> vector<1000x512xf32>
    %get3A_22 = arith.constant 0 : index
    %get3A_23 = arith.constant 0 : index
    %get3A_24 = vector.load %arg6[%get3A_22, %get3A_23] : memref<256x512xf32, #tpu.memory_space<vmem>>, vector<256x512xf32>
    %dot_general3A_25 = arith.constant dense<0.000000e+00> : vector<1000x512xf32>
    %dot_general3A_26 = tpu.matmul %concatenate3A, %get3A_24, %dot_general3A_25 {dimension_numbers = #tpu.dot_dimension_numbers<[1], [0], [0], [1], [0, 0, 1, 1], [], []>, transpose_lhs_hint = false} : vector<1000x256xf32>, vector<256x512xf32>, vector<1000x512xf32> -> vector<1000x512xf32>
    %add3A = arith.addf %dot_general3A_21, %dot_general3A_26 : vector<1000x512xf32>
    %get3A_27 = arith.constant 0 : index
    %get3A_28 = arith.constant 0 : index
    %get3A_29 = vector.load %arg7[%get3A_27, %get3A_28] : memref<1x512xf32, #tpu.memory_space<vmem>>, vector<1x512xf32>
    %add3A_30 = vector.broadcast %get3A_29 : vector<1x512xf32> to vector<1000x512xf32>
    %add3A_31 = arith.addf %add3A, %add3A_30 : vector<1000x512xf32>
    %swap3A = arith.constant 0 : index
    %swap3A_32 = arith.constant 0 : index
    %swap3A_33 = vector.load %arg8[%swap3A, %swap3A_32] : memref<1000x512xf32, #tpu.memory_space<vmem>>, vector<1000x512xf32>
    tpu.vector_store %arg8[%swap3A, %swap3A_32], %add3A_31 {strides = array<i32>} : memref<1000x512xf32, #tpu.memory_space<vmem>>, vector<1000x512xf32>,
    return
  }
  func.func @transform_0(%arg0: i32) -> (i32, i32) {
    %c0_i32 = arith.constant 0 : i32
    %c0_i32_0 = arith.constant 0 : i32
    return %arg0, %c0_i32 : i32, i32
  }
  func.func @transform_1(%arg0: i32) -> (i32, i32) {
    %c0_i32 = arith.constant 0 : i32
    %c0_i32_0 = arith.constant 0 : i32
    return %arg0, %c0_i32 : i32, i32
  }
  func.func @transform_2(%arg0: i32) -> (i32, i32) {
    %add3A = arith.constant 10 : i32
    %add3A_0 = arith.addi %arg0, %add3A : i32
    %c0_i32 = arith.constant 0 : i32
    %c0_i32_1 = arith.constant 0 : i32
    return %add3A_0, %c0_i32 : i32, i32
  }
  func.func @transform_3(%arg0: i32) -> (i32, i32) {
    %c0_i32 = arith.constant 0 : i32
    %c0_i32_0 = arith.constant 0 : i32
    return %arg0, %c0_i32 : i32, i32
  }
  func.func @transform_4(%arg0: i32) -> (i32, i32) {
    %c0_i32 = arith.constant 0 : i32
    %c0_i32_0 = arith.constant 0 : i32
    %c0_i32_1 = arith.constant 0 : i32
    return %c0_i32, %c0_i32_0 : i32, i32
  }
  func.func @transform_5(%arg0: i32) -> (i32, i32) {
    %c0_i32 = arith.constant 0 : i32
    %c0_i32_0 = arith.constant 0 : i32
    %c0_i32_1 = arith.constant 0 : i32
    return %c0_i32, %c0_i32_0 : i32, i32
  }
  func.func @transform_6(%arg0: i32) -> (i32, i32) {
    %c0_i32 = arith.constant 0 : i32
    %c0_i32_0 = arith.constant 0 : i32
    %c0_i32_1 = arith.constant 0 : i32
    return %c0_i32, %c0_i32_0 : i32, i32
  }
  func.func @transform_7(%arg0: i32) -> (i32, i32) {
    %c0_i32 = arith.constant 0 : i32
    %c0_i32_0 = arith.constant 0 : i32
    return %arg0, %c0_i32 : i32, i32
  }
}

</mosaic_0001>

<sc_bundles>
// kernel: kernel.4.cloned.1.call-start
scs
__scs_entry_jumppad:
0x0: {  	(pc) =	sbr.rel $0x88, $3  }
0x1: {  	(tag) =	ssettag $0x0;
	lr =	simm.s32 $0x1  }
0x2: {  	[smem:$0x3F9C] =	sst lr;
	_ =	strace $0xD0000000  }
0x3: {  	_ = 	snop  }
0x4: {  	_ = 	snop  }
0x5: {  	_ = 	snop  }
0x6: {  	_ = 	snop  }
0x7: {  	_ = 	snop  }
__scs_overlays_trampoline_lowered:
0x8: {  	[smem:$0x3FAB] =	sst s0  }
0x9: {  	[smem:$0x3FAC] =	sst s1  }
0xa: {  	[smem:$0x3FAD] =	sst s2  }
0xb: {  	[smem:$0x3FAE] =	sst s3  }
0xc: {  	[smem:$0x3FAF] =	sst s4  }
0xd: {  	[smem:$0x3FB0] =	sst s5  }
0xe: {  	[smem:$0x3FB1] =	sst s6  }
0xf: {  	[smem:$0x3FB2] =	sst s7  }
0x10: {  	[smem:$0x3FB3] =	sst s8  }
0x11: {  	[smem:$0x3FB4] =	sst s9;
	s0 =	simm.s32 @!p0 $0x0  }
0x12: {  	s1 =	sld [smem:$0x3F9A];
	s0 =	simm.s32 @p0 $0x1  }
0x13: {  	[smem:$0x3FB5] =	sst s0;
	s0 =	simm.s32 @!p1 $0x0  }
0x14: {  	s2 =	sld [smem:$0x3F99];
	s0 =	simm.s32 @p1 $0x1  }
0x15: {  	[smem:$0x3FB6] =	sst s0;
	s0 =	simm.s32 @!p2 $0x0  }
0x16: {  	s3 =	sld [smem:$0x3FDB];
	s0 =	simm.s32 @p2 $0x1  }
0x17: {  	s4 =	simm.s32 $0x1BF5;
	[smem:$0x3FB8] =	sst s0  }
0x18: {  	s0 =	sld [smem:$0x3F9B];
	_ =	swait.ge [sflag:s4], $0x0  }
0x19: {  	s7 =	sld [smem:$0x3F9C]  }
0x1a: {  	s8 =	sadd.s32 $0xFFFFE003, lr  }
0x1b: {  	s9 =	sadd.s32 $0xFFFFFEF7, lr;
	s5 =	simm.s32 $0xFFFFFFFF;
	p2 =	slt.u32 s8, $0xFFFFF086  }
0x1c: {  	p1 =	slt.u32 s9, $0xF7A;
	s5 =	simm.s32 @!p2 $0x0  }
0x1d: {  	s5 =	simm.s32 @p1 $0x1;
	p0 =	seq.s32 s7, s2  }
0x1e: {  	s7 =	smul.u32 @!p0 $0xF7A, s2;
	p2 =	seq.s32 @!p0 s5, $0x0  }
0x1f: {  	s9 =	smul.u32 $0xF7A, s1;
	s8 =	simm.s32 @!p0 $0x1BF5;
	p2 =	por !p2, p0  }
0x20: {  	[sflag:s8] =	ssyncset.s32 @!p0 $0xFFFFF086;
	s6 =	sadd.s32 @!p0 s3, s7;
	s7 =	simm.s32 @!p0 $0x108  }
0x21: {  	s3 =	sadd.s32 s3, s9;
	s6 =	sadd.s32 @!p0 $0x88, s6;
	s7 =	simm.s32 @p2 $0x1082  }
0x22: {  	[simem:s7], [sflag:s8] =	dma.local @!p0 [hbm:s6], $0xF7A  }
0x23: {  	s9 =	sor.u32 $0xD0000000, s2;
	s6 =	simm.s32 $0x108;
	_ =	swait.ge @!p0 [sflag:s8], $0x0  }
0x24: {  	s3 =	sadd.s32 $0x88, s3;
	s6 =	simm.s32 @!p1 $0x1082;
	[sflag:s4] =	ssyncset.s32 $0xFFFFF086  }
0x25: {  	[simem:s6], [sflag:s4] =	dma.local [hbm:s3], $0xF7A  }
0x26: {  	[smem:$0x3F9C] =	sst s1;
	(tag) =	ssettag s2;
	_ =	strace s9  }
0x27: {  	s1 =	sld [smem:$0x3FAC]  }
0x28: {  	s2 =	sld [smem:$0x3FAD]  }
0x29: {  	s4 =	sld [smem:$0x3FAF]  }
0x2a: {  	p0 =	seq.s32 s5, $0x0;
	s5 =	sld [smem:$0x3FB0]  }
0x2b: {  	s6 =	sld [smem:$0x3FB1]  }
0x2c: {  	s7 =	sld [smem:$0x3FB2]  }
0x2d: {  	s3 =	simm.s32 $0x108;
	s8 =	sld [smem:$0x3FB3]  }
0x2e: {  	s3 =	simm.s32 @!p0 $0x1082;
	s9 =	sld [smem:$0x3FB4]  }
0x2f: {  	lr =	sadd.s32 s0, s3;
	s0 =	sld [smem:$0x3FAB]  }
0x30: {  	s3 =	sld [smem:$0x3FAE]  }
0x31: {  	[smem:$0x3FB7] =	sst s10  }
0x32: {  	s10 =	sld [smem:$0x3FB5];
	_ =	sdelay $0x3  }
0x33: {  	p0 =	seq.s32 s10, $0x1;
	s10 =	sld [smem:$0x3FB7];
	_ =	sdelay $0x3  }
0x34: {  	[smem:$0x3FB7] =	sst s10  }
0x35: {  	s10 =	sld [smem:$0x3FB6];
	_ =	sdelay $0x3  }
0x36: {  	p1 =	seq.s32 s10, $0x1;
	s10 =	sld [smem:$0x3FB7];
	_ =	sdelay $0x3  }
0x37: {  	[smem:$0x3FB7] =	sst s10  }
0x38: {  	s10 =	sld [smem:$0x3FB8]  }
0x39: {  	_ = 	snop;
	(pc) =	sbr.ind lr, $3  }
0x3a: {  	_ = 	snop  }
0x3b: {  	_ = 	snop  }
0x3c: {  	p2 =	seq.s32 s10, $0x1;
	s10 =	sld [smem:$0x3FB7]  }
0x3d: {  	_ =	shalt  }
0x3e: {  	_ =	shalt  }
0x3f: {  	_ =	shalt  }
0x40: {  	_ =	shalt  }
0x41: {  	_ =	shalt  }
0x42: {  	_ =	shalt  }
0x43: {  	_ =	shalt  }
0x44: {  	_ =	shalt  }
0x45: {  	_ =	shalt  }
0x46: {  	_ =	shalt  }
0x47: {  	_ =	shalt  }
0x48: {  	_ =	shalt  }
0x49: {  	_ =	shalt  }
0x4a: {  	_ =	shalt  }
0x4b: {  	_ =	shalt  }
0x4c: {  	_ =	shalt  }
0x4d: {  	_ =	shalt  }
0x4e: {  	_ =	shalt  }
0x4f: {  	_ =	shalt  }
0x50: {  	_ =	shalt  }
0x51: {  	_ =	shalt  }
0x52: {  	_ =	shalt  }
0x53: {  	_ =	shalt  }
0x54: {  	_ =	shalt  }
0x55: {  	_ =	shalt  }
0x56: {  	_ =	shalt  }
0x57: {  	_ =	shalt  }
0x58: {  	_ =	shalt  }
0x59: {  	_ =	shalt  }
0x5a: {  	_ =	shalt  }
0x5b: {  	_ =	shalt  }
0x5c: {  	_ =	shalt  }
0x5d: {  	_ =	shalt  }
0x5e: {  	_ =	shalt  }
0x5f: {  	_ =	shalt  }
0x60: {  	_ =	shalt  }
0x61: {  	_ =	shalt  }
0x62: {  	_ =	shalt  }
0x63: {  	_ =	shalt  }
0x64: {  	_ =	shalt  }
0x65: {  	_ =	shalt  }
0x66: {  	_ =	shalt  }
0x67: {  	_ =	shalt  }
0x68: {  	_ =	shalt  }
0x69: {  	_ =	shalt  }
0x6a: {  	_ =	shalt  }
0x6b: {  	_ =	shalt  }
0x6c: {  	_ =	shalt  }
0x6d: {  	_ =	shalt  }
0x6e: {  	_ =	shalt  }
0x6f: {  	_ =	shalt  }
0x70: {  	_ =	shalt  }
0x71: {  	_ =	shalt  }
0x72: {  	_ =	shalt  }
0x73: {  	_ =	shalt  }
0x74: {  	_ =	shalt  }
0x75: {  	_ =	shalt  }
0x76: {  	_ =	shalt  }
0x77: {  	_ =	shalt  }
0x78: {  	_ =	shalt  }
0x79: {  	_ =	shalt  }
0x7a: {  	_ =	shalt  }
0x7b: {  	_ =	shalt  }
0x7c: {  	_ =	shalt  }
0x7d: {  	_ =	shalt  }
0x7e: {  	_ =	shalt  }
0x7f: {  	_ =	shalt  }
0x80: {  	_ =	shalt  }
0x81: {  	_ =	shalt  }
0x82: {  	_ =	shalt  }
0x83: {  	_ =	shalt  }
0x84: {  	_ =	shalt  }
0x85: {  	_ =	shalt  }
0x86: {  	_ =	shalt  }
0x87: {  	_ =	shalt  }
.Lfunc_end0:
.L_simem_size_0:
called_computation_lowered:
.L_overlay_start_0:
0x88: {  	s2 =	sld [smem:$0x3FD9]  }
0x89: {  	s3 =	sld [smem:$0x3FFE];
	_ =	sdelay $0x1  }
0x8a: {  	s1 =	srdreg.scid  }
0x8b: {  	s0 =	sand.u32 $0x1, s1  }
0x8c: {  	s17 =	sshll.u32 s0, $0xA;
	s2 =	sadd.s32 s3, s2  }
0x8d: {  	s2 =	sadd.s32 s2, s17  }
0x8e: {  	[smem:$0x3FC3] =	sst s2  }
0x8f: {  	_ = 	snop  }
0x90: {  	s2 =	sld [smem:$0x3FD0];
	(tm) =	ssettm $0x1  }
0x91: {  	s18 =	sld [smem:$0x3FFB];
	_ =	sdelay $0x3  }
0x92: {  	_ =	strace s18  }
0x93: {  	s3 =	sld [smem:$0x3FFC];
	_ =	sdelay $0x3  }
0x94: {  	_ =	strace s3  }
0x95: {  	s3 =	sld [smem:$0x3FFD];
	_ =	sdelay $0x3  }
0x96: {  	_ =	strace s3  }
0x97: {  	_ =	strace $0x8FFFFFFF  }
0x98: {  	s19 =	sld [smem:$0x3FDB];
	_ =	sdelay $0x1  }
0x99: {  	s4 =	simm.s32 $_scs_section_size  }
0x9a: {  	s5 =	simm.s32 $_size__tile_overlayer_lowered;
	s6 =	simm.s32 $_tile_overlayer_lowered  }
0x9b: {  	s22 =	simm.s32 $0x1BFF;
	s21 =	sshll.u32 s6, $0x1;
	s3 =	sadd.s32 s4, s19  }
0x9c: {  	s7 =	simm.s32 $0x0;
	s20 =	sshll.u32 s5, $0x1;
	s5 =	sadd.s32 s21, s3  }
0x9d: {  	[timem:s7], [sflag:s22] =	dma.local [hbm:s5], s20  }
0x9e: {  	_ =	swait.ge [sflag:s22], s20  }
0x9f: {  	s4 =	ssub.s32 $0x0, s20;
	[sflag:s22] =	ssyncset.done $0x0  }
0xa0: {  	[sflag:s22] =	ssyncadd.s32 s4;
	_ =	sdelay $0x1  }
0xa1: {  	s23 =	simm.s32 $0x1B8B  }
0xa2: {  	_ =	swait.ge [sflag:s23], $0x1  }
0xa3: {  	[sflag:s23] =	ssyncset.done $0x0  }
0xa4: {  	s25 =	simm.s32 $0x1B8E;
	s24 =	sld [smem:$0x3FFE];
	[sflag:s23] =	ssyncadd.s32 $0xFFFFFFFF  }
0xa5: {  	s26 =	simm.s32 $execute0_lowered;
	[smem:$0x3FD2] =	sst s25  }
0xa6: {  	s5 =	sshll.u32 s26, $0x1;
	_ =	strace $0x80000046;
	[dreg:$0x1] =	wrdreg $0xFFFFFFFF  }
0xa7: {  	s28 =	simm.s32 $_size_execute0_lowered;
	s3 =	sadd.s32 s3, s5;
	[dreg:$0x0] =	wrdreg $0x0  }
0xa8: {  	s5 =	sshll.u32 s28, $0x1;
	[dreg:$0x2] =	wrdreg s3  }
0xa9: {  	[dreg:$0x3] =	wrdreg s5  }
0xaa: {  	[dreg:$0x4] =	wrdreg $0xC0  }
0xab: {  	_ =	task [dreg:s7], $0x5FFFF  }
0xac: {  	[dreg:$0x1] =	wrdreg $0xFFFFFFFF  }
0xad: {  	[dreg:$0x0] =	wrdreg $0x60  }
0xae: {  	[dreg:$0x2] =	wrdreg s2  }
0xaf: {  	[dreg:$0x3] =	wrdreg s24  }
0xb0: {  	[dreg:$0x4] =	wrdreg $0x0  }
0xb1: {  	[dreg:$0x5] =	wrdreg $0x140000  }
0xb2: {  	[dreg:$0x6] =	wrdreg $0x9  }
0xb3: {  	_ =	task.clear_ibuf [dreg:s7], $0x7FFFF;
	_ =	strace $0x90000046  }
0xb4: {  	s29 =	simm.s32 $0x9;
	_ =	strace $0x80000048  }
0xb5: {  	_ =	swait.ge [sflag:s29], $0x1  }
0xb6: {  	[sflag:s29] =	ssyncadd.s32 $0xFFFFFFFF  }
0xb7: {  	_ =	strace $0x90000048  }
0xb8: {  	_ =	sfence  }
0xb9: {  	s30 =	sld [smem:$0x0];
	_ =	sdelay $0x2  }
0xba: {  	s31 =	sshll.u32 s1, $0xD;
	s1 =	sshrl.u32 s1, $0x2  }
0xbb: {  	s3 =	sand.u32 $0x4000, s31;
	s1 =	sadd.s32 s1, s30  }
0xbc: {  	s0 =	sor.u32 s3, s0;
	s1 =	sshll.u32 s1, $0x11  }
0xbd: {  	s0 =	sor.u32 s1, s0  }
0xbe: {  	s0 =	sadd.s32 $0x8F2B, s0  }
0xbf: {  	[sflag:s0] =	ssyncadd.remote.s32 $0x1  }
0xc0: {  	_ =	sfence.sel $0xFFFF  }
0xc1: {  	[dreg:$0x0] =	wrdreg $0xFFFFFFFF;
	(pc) =	sbr.abs _section_cstart, $3  }
0xc2: {  	[dreg:$0x1] =	wrdreg $0xFFFFFFFF  }
0xc3: {  	_ =	task.clear_ibuf [dreg:s7], $0x2FFFF;
	_ =	strace $0x9FFFFFFF  }
0xc4: {  	(tm) =	ssettm $0x7FFFFFFF  }
0xc5: {  	_ =	shalt  }
tec
execute0_lowered:
.L_overlay_start_1:
0x0: {  	(tag) =	ssettag $0x1  }
0x1: {  	s1 =	rddreg [dreg:$0x0]  }
0x2: {  	s0 =	rddreg [dreg:$0x1]  }
0x3: {  	s2 =	rddreg [dreg:$0x2];
	s18 =	stileid.u32  }
0x4: {  	s3 =	rddreg [dreg:$0x3];
	s5 =	simm.s32 $0x0;
	s7 =	smul.u32 $0x278, s18  }
0x5: {  	s8 =	srdreg.scid;
	s31 =	simm.s32 $0x40;
	s10 =	smul.u32 $0x50000, s18  }
0x6: {  	s29 =	simm.s32 $0x16880;
	s28 =	simm.s32 $0x14380;
	s13 =	smul.u32 $0x2800, s18  }
0x7: {  	[smem:$0x7FF] =	sst s5;
	s4 =	sadd.s32 $0x6400, s0;
	s26 =	smul.u32 $0xA00, s18  }
0x8: {  	s6 =	sadd.s32 $0x1400, s0;
	s8 =	sand.u32 $0x1, s8;
	s25 =	smul.u32 $0x500, s18  }
0x9: {  	s9 =	sadd.s32 $0x10A00, s0;
	p1 =	seq.s32 s18, $0xF;
	s15 =	smul.u32 $0x28000, s8  }
0xa: {  	_ =	strace $0x80000047;
	s12 =	ssub.s32 $0x2, s8;
	s21 =	smul.u32 $0x2710, s8  }
0xb: {  	s22 =	smul.u32 $0x138800, s8;
	p0 =	sne.s32 s8, $0x0;
	p2 =	sne.s32 @p1 s8, $0x0  }
0xc: {  	p3 =	sne.s32 @!p1 s8, $0x0;
	s8 =	simm.s32 $0x18880;
	s11 =	sshrl.u32 s7, $0x3  }
0xd: {  	s14 =	sshrl.u32 s12, $0x1;
	s10 =	sshrl.u32 s10, $0x2;
	s16 =	sshrl.u32 s13, $0x3  }
0xe: {  	p2 =	por p2, !p1;
	p3 =	por p3, p1;
	s11 =	sadd.s32 s11, s0  }
0xf: {  	s12 =	ssub.s32 s12, s14;
	s19 =	sadd.s32 s10, s2;
	s10 =	sadd.s32 s13, s15  }
0x10: {  	s14 =	sshrl.u32 s26, $0x2;
	s23 =	sadd.s32 s7, s21;
	s7 =	sadd.s32 s7, s3  }
0x11: {  	s20 =	sadd.s32 s6, s16;
	s0 =	sadd.s32 $0x108A1, s0;
	[dreg:$0x11] =	wrdreg s7  }
0x12: {  	s13 =	sor.u32 $0x100, s13;
	s24 =	sshrl.u32 s22, $0x3;
	[dreg:$0x14] =	wrdreg s0  }
0x13: {  	s26 =	smul.u32 $0x4F000, s18;
	s17 =	sshrl.u32 s10, $0x3;
	[dreg:$0x6] =	wrdreg s20  }
0x14: {  	s14 =	sadd.s32 s14, s3;
	s16 =	sadd.s32 $0x8, s20;
	[dreg:$0x5] =	wrdreg s19  }
0x15: {  	s15 =	sadd.s32 s15, s13;
	s13 =	sshrl.u32 s13, $0x3;
	[dreg:$0x7] =	wrdreg s14  }
0x16: {  	s12 =	smax.u32 s12, $0x1;
	s18 =	sadd.s32 $0x2000, s19;
	[dreg:$0x9] =	wrdreg s16  }
0x17: {  	s21 =	sadd.s32 $0x6000, s19;
	s22 =	sadd.s32 $0x8000, s19;
	[dreg:$0x15] =	wrdreg s12  }
0x18: {  	s7 =	simm.s32 $0x1A880;
	s30 =	sadd.s32 s4, s17;
	[dreg:$0x1c] =	wrdreg s18  }
0x19: {  	s17 =	sadd.s32 $0x10, s20;
	s15 =	sshrl.u32 s15, $0x3;
	[dreg:$0x1e] =	wrdreg s21  }
0x1a: {  	s13 =	sadd.s32 s6, s13;
	s14 =	sadd.s32 s25, s6;
	[dreg:$0x1f] =	wrdreg s22  }
0x1b: {  	s16 =	sadd.s32 $0x38, s20;
	s25 =	sadd.s32 $0xE000, s19;
	[dreg:$0x8] =	wrdreg s30  }
0x1c: {  	s21 =	simm.s32 $0x14380;
	s12 =	simm.s32 $0xA;
	[dreg:$0xa] =	wrdreg s17  }
0x1d: {  	[dreg:$0xb] =	wrdreg s13;
	s13 =	sshll.u32 s23, $0x4;
	s30 =	sor.u32 $0x300, s10  }
0x1e: {  	s10 =	sor.u32 $0x200, s10;
	s15 =	sadd.s32 s4, s15;
	[dreg:$0x1a] =	wrdreg s16  }
0x1f: {  	s17 =	sadd.s32 $0x2508, s3;
	s23 =	sadd.s32 $0xA000, s19;
	[smem:$0x7FB] =	sst s25  }
0x20: {  	s25 =	simm.s32 $0x14700;
	s13 =	sadd.s32 s9, s13;
	[dreg:$0xd] =	wrdreg s15  }
0x21: {  	s9 =	sadd.s32 s9, s24;
	s6 =	sshrl.u32 s30, $0x3;
	[dreg:$0x1b] =	wrdreg s17  }
0x22: {  	s10 =	sshrl.u32 s10, $0x3;
	s15 =	sadd.s32 $0x30, s20;
	[smem:$0x7F9] =	sst s23  }
0x23: {  	s24 =	sadd.s32 $0xC000, s19;
	s30 =	sadd.s32 $0x12000, s19;
	[dreg:$0xc] =	wrdreg s13  }
0x24: {  	s23 =	simm.s32 $0x14680;
	s13 =	sshrl.u32 s26, $0x2;
	[dreg:$0x19] =	wrdreg s15  }
0x25: {  	s6 =	sadd.s32 s6, s4;
	s4 =	sadd.s32 s10, s4;
	[smem:$0x7FA] =	sst s24  }
0x26: {  	s10 =	sadd.s32 $0x10400, s11;
	s11 =	sadd.s32 $0x25080, s9;
	[smem:$0x7FD] =	sst s30  }
0x27: {  	s26 =	sadd.s32 $0x10000, s19;
	s15 =	simm.s32 $0x14880;
	[dreg:$0xe] =	wrdreg s6  }
0x28: {  	s9 =	simm.s32 $0x1;
	s24 =	simm.s32 $0x7;
	[dreg:$0xf] =	wrdreg s4  }
0x29: {  	s6 =	sadd.s32 $0x18, s20;
	s4 =	sadd.s32 s13, s2;
	[dreg:$0x12] =	wrdreg s10  }
0x2a: {  	[dreg:$0x13] =	wrdreg s11;
	s13 =	sadd.s32 $0x28, s20;
	s20 =	sadd.s32 $0x4000, s19  }
0x2b: {  	[smem:$0x7FC] =	sst s26;
	s26 =	simm.s32 $0x14780;
	s10 =	simm.s32 $0x2  }
.Ltmp0:
0x2c: {  	s19 =	simm.s32 $0x3;
	[dreg:$0x10] =	wrdreg s6;
	(pc) =	sbr.rel .LBB2_1-.Ltmp0, $4  }
0x2d: {  	s11 =	simm.s32 $0x4;
	s6 =	sadd.s32 $0x128400, s2;
	[dreg:$0x18] =	wrdreg s13  }
0x2e: {  	[dreg:$0x1d] =	wrdreg s20;
	s13 =	simm.s32 $0x1A880;
	s0 =	sshrl.u32 @p1 s6, $0x3  }
0x2f: {  	s20 =	simm.s32 $0x8;
	[dreg:$0x16] =	wrdreg s0;
	s0 =	sshrl.u32 @!p1 s4, $0x3  }
0x30: {  	v0 =	vimm.f32 $0.0e+00;
	v1 =	vimm.f32 $1.000000000e+00;
	s4 =	simm.s32 $0x0;
	[dreg:$0x17] =	wrdreg s0;
	s0 =	simm.s32 $0x14800  }
.LBB2_6:
0x31: {  	s4 =	simm.s32 $0x5  }
0x32: {  	_ =	swait.ge [sflag:s4], $0x2000  }
0x33: {  	[sflag:s4] =	ssyncset.done $0x0  }
0x34: {  	s21 =	simm.s32 $0x6;
	[sflag:s4] =	ssyncadd.s32 $0xFFFFE000  }
0x35: {  	_ =	swait.ge [sflag:s21], $0x2000  }
0x36: {  	[sflag:s21] =	ssyncset.done $0x0  }
0x37: {  	[sflag:s21] =	ssyncadd.s32 $0xFFFFE000  }
0x38: {  	_ =	swait.ge [sflag:s24], $0x2000  }
0x39: {  	[sflag:s24] =	ssyncset.done $0x0  }
0x3a: {  	[sflag:s24] =	ssyncadd.s32 $0xFFFFE000  }
0x3b: {  	_ =	swait.ge [sflag:s20], $0x2000  }
0x3c: {  	[sflag:s20] =	ssyncset.done $0x0  }
0x3d: {  	[sflag:s20] =	ssyncadd.s32 $0xFFFFE000  }
0x3e: {  	[bflag:$0x0] =	sbarrier.arrive $0xFFFF  }
0x3f: {  	s16 =	rddreg [dreg:$0x13]  }
0x40: {  	s6 =	simm.s32 @p1 $0x1FCC;
	s17 =	rddreg [dreg:$0x16]  }
0x41: {  	[hbm:s16], [sflag:s6] =	dma.local @p1 [spmem:s17], $0x2080  }
0x42: {  	s6 =	simm.s32 @p1 $0xC  }
0x43: {  	_ =	swait.ge @p1 [sflag:s6], $0x2080  }
0x44: {  	[sflag:s6] =	ssyncset.done @p1 $0x0  }
0x45: {  	s16 =	rddreg [dreg:$0x1b];
	[sflag:s6] =	ssyncadd.s32 @p1 $0xFFFFDF80;
	s6 =	simm.s32 @!p2 $0x1C900  }
0x46: {  	[tilespmem:s6], [sflag:$0xC] =	stream.linear.gather @!p2 [spmem:s16], $0x208, $0x38;
	[tilespmem:$0x1CB80] =	vst v63  }
0x47: {  	s16 =	simm.s32 @!p2 $0xC  }
0x48: {  	_ =	swait.ge @!p2 [sflag:s16], $0x208  }
0x49: {  	[sflag:s16] =	ssyncset.done @!p2 $0x0  }
0x4a: {  	s17 =	simm.s32 @!p2 $0x0;
	s18 =	rddreg [dreg:$0x14];
	[sflag:s16] =	ssyncadd.s32 @!p2 $0xFFFFFDF8  }
0x4b: {  	[hbm4b:s18+s17] =	stream.linear.scatter @!p2 [tilespmem:s6], [sflag:$0xC], $0x208, $0x38;
	[tilespmem:$0x1CB80] =	vst v63  }
0x4c: {  	s6 =	stileid.u32;
	_ =	swait.ge @!p2 [sflag:s16], $0x208  }
0x4d: {  	s6 =	sshll.u32 @!p1 s6, $0x6;
	[sflag:s16] =	ssyncset.done @!p2 $0x0;
	s17 =	rddreg [dreg:$0x17]  }
0x4e: {  	s6 =	sor.u32 @!p1 $0x1C0C, s6;
	[sflag:s16] =	ssyncadd.s32 @!p2 $0xFFFFFDF8;
	s16 =	rddreg [dreg:$0xc]  }
0x4f: {  	[hbm:s16], [sflag:s6] =	dma.local @!p1 [spmem:s17], $0x2780  }
0x50: {  	s6 =	simm.s32 @!p1 $0xC  }
0x51: {  	_ =	swait.ge @!p1 [sflag:s6], $0x2780  }
0x52: {  	[sflag:s6] =	ssyncset.done @!p1 $0x0  }
0x53: {  	s16 =	rddreg [dreg:$0x11];
	[sflag:s6] =	ssyncadd.s32 @!p1 $0xFFFFD880;
	s6 =	simm.s32 @!p3 $0x1C900  }
0x54: {  	[tilespmem:s6], [sflag:$0xC] =	stream.linear.gather @!p3 [spmem:s16], $0x278, $0x38;
	[tilespmem:$0x1CB80] =	vst v63  }
0x55: {  	s16 =	simm.s32 @!p3 $0xC  }
0x56: {  	_ =	swait.ge @!p3 [sflag:s16], $0x278  }
0x57: {  	[sflag:s16] =	ssyncset.done @!p3 $0x0  }
0x58: {  	s17 =	simm.s32 @!p3 $0x0;
	s18 =	rddreg [dreg:$0x12];
	[sflag:s16] =	ssyncadd.s32 @!p3 $0xFFFFFD88  }
0x59: {  	[hbm4b:s18+s17] =	stream.linear.scatter @!p3 [tilespmem:s6], [sflag:$0xC], $0x278, $0x38;
	[tilespmem:$0x1CB80] =	vst v63  }
0x5a: {  	_ =	swait.ge @!p3 [sflag:s16], $0x278  }
0x5b: {  	s22 =	sld [smem:$0x7F8];
	_ =	sdelay $0x2  }
0x5c: {  	s30 =	rddreg [dreg:$0x15];
	s4 =	sadd.s32 $0x1, s22  }
0x5d: {  	p4 =	sne.s32 s4, s30  }
.Ltmp1:
0x5e: {  	_ = 	snop;
	(pc) =	sbr.rel @!p4 .LBB2_7-.Ltmp1, $3  }
0x5f: {  	_ =	sdelay $0x1  }
0x60: {  	[sflag:s16] =	ssyncset.done @!p3 $0x0  }
0x61: {  	s21 =	simm.s32 $0x14380;
	[sflag:s16] =	ssyncadd.s32 @!p3 $0xFFFFFD88  }
.LBB2_1:
0x62: {  	[smem:$0x7F8] =	sst s4;
	s6 =	simm.s32 $0x0;
	s18 =	simm.s32 $0x200  }
.LBB2_2:
0x63: {  	p4 =	sne.s32 s18, $0x7E00;
	[tilespmem:s6+$0x148F0] =	vst v0  }
0x64: {  	[tilespmem:s6+$0x14880] =	vst v0  }
0x65: {  	[tilespmem:s6+$0x14890] =	vst v0  }
.Ltmp2:
0x66: {  	[tilespmem:s6+$0x148A0] =	vst v0;
	(pc) =	sbr.rel @p4 .LBB2_2-.Ltmp2, $4  }
0x67: {  	[tilespmem:s6+$0x148B0] =	vst v0  }
0x68: {  	[tilespmem:s6+$0x148C0] =	vst v0  }
0x69: {  	[tilespmem:s6+$0x148D0] =	vst v0  }
0x6a: {  	[tilespmem:s6+$0x148E0] =	vst v0;
	s6 =	sshra.s32 s18, $0x2;
	s18 =	sadd.s32 $0x200, s18  }
0x6b: {  	[tilespmem:s6+$0x148F0] =	vst v0  }
0x6c: {  	[tilespmem:s6+$0x14880] =	vst v0  }
0x6d: {  	[tilespmem:s6+$0x14890] =	vst v0  }
0x6e: {  	[tilespmem:s6+$0x148A0] =	vst v0  }
0x6f: {  	[tilespmem:s6+$0x148B0] =	vst v0  }
0x70: {  	[tilespmem:s6+$0x148C0] =	vst v0  }
0x71: {  	[tilespmem:s6+$0x148D0] =	vst v0  }
0x72: {  	[tilespmem:s6+$0x148E0] =	vst v0  }
0x73: {  	[tilespmem:$0x1C900] =	vst v0  }
0x74: {  	[tilespmem:$0x1C910] =	vst v0  }
0x75: {  	[tilespmem:$0x1C920] =	vst v0  }
0x76: {  	[tilespmem:$0x1C930] =	vst v0  }
0x77: {  	[tilespmem:$0x1C940] =	vst v0  }
0x78: {  	[tilespmem:$0x1C950] =	vst v0  }
0x79: {  	[tilespmem:$0x1C960] =	vst v0  }
0x7a: {  	[tilespmem:$0x1C970] =	vst v0  }
0x7b: {  	[tilespmem:$0x1C980] =	vst v0  }
0x7c: {  	[tilespmem:$0x1C990] =	vst v0  }
0x7d: {  	[tilespmem:$0x1C9A0] =	vst v0  }
0x7e: {  	[tilespmem:$0x1C9B0] =	vst v0  }
0x7f: {  	[tilespmem:$0x1C9C0] =	vst v0  }
0x80: {  	[tilespmem:$0x1C9D0] =	vst v0  }
0x81: {  	[tilespmem:$0x1C9E0] =	vst v0  }
0x82: {  	[tilespmem:$0x1C9F0] =	vst v0  }
0x83: {  	[tilespmem:$0x1CA00] =	vst v0  }
0x84: {  	[tilespmem:$0x1CA10] =	vst v0  }
0x85: {  	[tilespmem:$0x1CA20] =	vst v0  }
0x86: {  	[tilespmem:$0x1CA30] =	vst v0  }
0x87: {  	[tilespmem:$0x1CA40] =	vst v0  }
0x88: {  	[tilespmem:$0x1CA50] =	vst v0  }
0x89: {  	[tilespmem:$0x1CA60] =	vst v0  }
0x8a: {  	[tilespmem:$0x1CA70] =	vst v0  }
0x8b: {  	[tilespmem:$0x1CA80] =	vst v0  }
0x8c: {  	[tilespmem:$0x1CA90] =	vst v0  }
0x8d: {  	[tilespmem:$0x1CAA0] =	vst v0  }
0x8e: {  	[tilespmem:$0x1CAB0] =	vst v0  }
0x8f: {  	[tilespmem:$0x1CAC0] =	vst v0  }
0x90: {  	[tilespmem:$0x1CAD0] =	vst v0  }
0x91: {  	[tilespmem:$0x1CAE0] =	vst v0  }
0x92: {  	[tilespmem:$0x1CAF0] =	vst v0  }
0x93: {  	[tilespmem:$0x1CB00] =	vst v0  }
0x94: {  	[tilespmem:$0x1CB10] =	vst v0  }
0x95: {  	[tilespmem:$0x1CB20] =	vst v0  }
0x96: {  	[tilespmem:$0x1CB30] =	vst v0  }
0x97: {  	[tilespmem:$0x1CB40] =	vst v0  }
0x98: {  	[tilespmem:$0x1CB50] =	vst v0  }
0x99: {  	[tilespmem:$0x1CB60] =	vst v0  }
0x9a: {  	[tilespmem:$0x1CB70] =	vst v0  }
0x9b: {  	[tilespmem:$0x1C880] =	vst v1  }
0x9c: {  	[tilespmem:$0x1C890] =	vst v1  }
0x9d: {  	[tilespmem:$0x1C8A0] =	vst v1  }
0x9e: {  	s18 =	rddreg [dreg:$0x5];
	s16 =	simm.s32 $0xC;
	[tilespmem:$0x1C8B0] =	vst v1  }
0x9f: {  	[spmem:s18] =	stream.linear.scatter [tilespmem:s15], [sflag:$0xC], $0x2000, $0x38;
	[tilespmem:$0x1CB80] =	vst v63  }
0xa0: {  	_ =	swait.ge [sflag:s16], $0x2000  }
0xa1: {  	[sflag:s16] =	ssyncset.done $0x0  }
0xa2: {  	s22 =	rddreg [dreg:$0x1c];
	[sflag:s16] =	ssyncadd.s32 $0xFFFFE000  }
0xa3: {  	[spmem:s22] =	stream.linear.scatter [tilespmem:s15], [sflag:$0xC], $0x2000, $0x38;
	[tilespmem:$0x1CB80] =	vst v63  }
0xa4: {  	_ =	swait.ge [sflag:s16], $0x2000  }
0xa5: {  	[sflag:s16] =	ssyncset.done $0x0  }
0xa6: {  	s4 =	rddreg [dreg:$0x1d];
	[sflag:s16] =	ssyncadd.s32 $0xFFFFE000  }
0xa7: {  	[spmem:s4] =	stream.linear.scatter [tilespmem:s15], [sflag:$0xC], $0x2000, $0x38;
	[tilespmem:$0x1CB80] =	vst v63  }
0xa8: {  	_ =	swait.ge [sflag:s16], $0x2000  }
0xa9: {  	[sflag:s16] =	ssyncset.done $0x0  }
0xaa: {  	s17 =	rddreg [dreg:$0x1e];
	[sflag:s16] =	ssyncadd.s32 $0xFFFFE000  }
0xab: {  	[spmem:s17] =	stream.linear.scatter [tilespmem:s15], [sflag:$0xC], $0x2000, $0x38;
	[tilespmem:$0x1CB80] =	vst v63  }
0xac: {  	_ =	swait.ge [sflag:s16], $0x2000  }
0xad: {  	[sflag:s16] =	ssyncset.done $0x0  }
0xae: {  	s18 =	rddreg [dreg:$0x1f];
	[sflag:s16] =	ssyncadd.s32 $0xFFFFE000  }
0xaf: {  	[spmem:s18] =	stream.linear.scatter [tilespmem:s15], [sflag:$0xC], $0x2000, $0x38;
	[tilespmem:$0x1CB80] =	vst v63  }
0xb0: {  	_ =	swait.ge [sflag:s16], $0x2000  }
0xb1: {  	s22 =	sld [smem:$0x7F9]  }
0xb2: {  	[sflag:s16] =	ssyncset.done $0x0  }
0xb3: {  	[sflag:s16] =	ssyncadd.s32 $0xFFFFE000  }
0xb4: {  	[spmem:s22] =	stream.linear.scatter [tilespmem:s15], [sflag:$0xC], $0x2000, $0x38;
	[tilespmem:$0x1CB80] =	vst v63  }
0xb5: {  	_ =	swait.ge [sflag:s16], $0x2000  }
0xb6: {  	s4 =	sld [smem:$0x7FA]  }
0xb7: {  	[sflag:s16] =	ssyncset.done $0x0  }
0xb8: {  	[sflag:s16] =	ssyncadd.s32 $0xFFFFE000  }
0xb9: {  	[spmem:s4] =	stream.linear.scatter [tilespmem:s15], [sflag:$0xC], $0x2000, $0x38;
	[tilespmem:$0x1CB80] =	vst v63  }
0xba: {  	_ =	swait.ge [sflag:s16], $0x2000  }
0xbb: {  	s17 =	sld [smem:$0x7FB]  }
0xbc: {  	[sflag:s16] =	ssyncset.done $0x0  }
0xbd: {  	[sflag:s16] =	ssyncadd.s32 $0xFFFFE000  }
0xbe: {  	[spmem:s17] =	stream.linear.scatter [tilespmem:s15], [sflag:$0xC], $0x2000, $0x38;
	[tilespmem:$0x1CB80] =	vst v63  }
0xbf: {  	_ =	swait.ge [sflag:s16], $0x2000  }
0xc0: {  	s18 =	sld [smem:$0x7FC]  }
0xc1: {  	[sflag:s16] =	ssyncset.done $0x0  }
0xc2: {  	[sflag:s16] =	ssyncadd.s32 $0xFFFFE000  }
0xc3: {  	[spmem:s18] =	stream.linear.scatter [tilespmem:s15], [sflag:$0xC], $0x2000, $0x38;
	[tilespmem:$0x1CB80] =	vst v63  }
0xc4: {  	_ =	swait.ge [sflag:s16], $0x2000  }
0xc5: {  	s22 =	sld [smem:$0x7FD]  }
0xc6: {  	[sflag:s16] =	ssyncset.done $0x0  }
0xc7: {  	[sflag:s16] =	ssyncadd.s32 $0xFFFFE000  }
0xc8: {  	[spmem:s22] =	stream.linear.scatter [tilespmem:s15], [sflag:$0xC], $0x2000, $0x38;
	[tilespmem:$0x1CB80] =	vst v63  }
0xc9: {  	_ =	swait.ge [sflag:s16], $0x2000  }
0xca: {  	[sflag:s16] =	ssyncset.done $0x0  }
0xcb: {  	s17 =	simm.s32 $0x1C900;
	s4 =	rddreg [dreg:$0x7];
	[sflag:s16] =	ssyncadd.s32 $0xFFFFE000  }
0xcc: {  	[spmem:s4] =	stream.linear.scatter [tilespmem:s17], [sflag:$0xC], $0x280, $0x38;
	[tilespmem:$0x1CB80] =	vst v63  }
0xcd: {  	_ =	swait.ge [sflag:s16], $0x280  }
0xce: {  	[sflag:s16] =	ssyncset.done $0x0  }
0xcf: {  	[sflag:s16] =	ssyncadd.s32 $0xFFFFFD80  }
0xd0: {  	[bflag:$0x0] =	sbarrier.arrive $0xFFFF  }
0xd1: {  	s22 =	simm.s32 $0x0;
	s16 =	simm.s32 $0x14280;
	s17 =	rddreg [dreg:$0x8]  }
0xd2: {  	[tilespmem:s16], [sflag:$0x9] =	stream.linear.gather [hbm4b:s17+s22], $0x100, $0x38;
	[tilespmem:$0x1CB80] =	vst v63  }
0xd3: {  	s4 =	simm.s32 $0x14480;
	s18 =	rddreg [dreg:$0x6]  }
0xd4: {  	[tilespmem:s4], [sflag:$0x9] =	stream.linear.gather [hbm4b:s18+s22], $0x40, $0x38;
	[tilespmem:$0x1CB80] =	vst v63  }
0xd5: {  	s18 =	rddreg [dreg:$0x9];
	s4 =	simm.s32 $0x14500  }
0xd6: {  	[tilespmem:s4], [sflag:$0x9] =	stream.linear.gather [hbm4b:s18+s22], $0x40, $0x38;
	[tilespmem:$0x1CB80] =	vst v63  }
0xd7: {  	s18 =	rddreg [dreg:$0xa];
	s4 =	simm.s32 $0x14580  }
0xd8: {  	[tilespmem:s4], [sflag:$0x9] =	stream.linear.gather [hbm4b:s18+s22], $0x40, $0x38;
	[tilespmem:$0x1CB80] =	vst v63  }
0xd9: {  	s17 =	rddreg [dreg:$0x10];
	s18 =	simm.s32 $0x14600;
	s4 =	simm.s32 $0x9  }
0xda: {  	[tilespmem:s18], [sflag:$0x9] =	stream.linear.gather [hbm4b:s17+s22], $0x40, $0x38;
	[tilespmem:$0x1CB80] =	vst v63  }
0xdb: {  	_ =	swait.ge [sflag:s4], $0x100  }
0xdc: {  	[sflag:s4] =	ssyncset.done $0x0  }
0xdd: {  	[sflag:s4] =	ssyncadd.s32 $0xFFFFFF00  }
0xde: {  	_ =	swait.ge [sflag:s4], $0x40  }
0xdf: {  	[sflag:s4] =	ssyncset.done $0x0  }
0xe0: {  	[sflag:s4] =	ssyncadd.s32 $0xFFFFFFC0  }
0xe1: {  	_ =	swait.ge [sflag:s4], $0x40  }
0xe2: {  	[sflag:s4] =	ssyncset.done $0x0  }
0xe3: {  	[sflag:s4] =	ssyncadd.s32 $0xFFFFFFC0  }
0xe4: {  	_ =	swait.ge [sflag:s4], $0x40  }
0xe5: {  	[sflag:s4] =	ssyncset.done $0x0  }
0xe6: {  	[sflag:s4] =	ssyncadd.s32 $0xFFFFFFC0  }
0xe7: {  	_ =	swait.ge [sflag:s4], $0x40  }
0xe8: {  	[sflag:s4] =	ssyncset.done $0x0  }
0xe9: {  	s17 =	rddreg [dreg:$0xd];
	[sflag:s4] =	ssyncadd.s32 $0xFFFFFFC0  }
0xea: {  	[tilespmem:s21], [sflag:$0xA] =	stream.linear.gather [hbm4b:s17+s22], $0x100, $0x38;
	[tilespmem:$0x1CB80] =	vst v63  }
0xeb: {  	s18 =	rddreg [dreg:$0xb]  }
0xec: {  	[tilespmem:s23], [sflag:$0xA] =	stream.linear.gather [hbm4b:s18+s22], $0x40, $0x38;
	[tilespmem:$0x1CB80] =	vst v63  }
0xed: {  	s4 =	rddreg [dreg:$0x18]  }
0xee: {  	[tilespmem:s25], [sflag:$0xA] =	stream.linear.gather [hbm4b:s4+s22], $0x40, $0x38;
	[tilespmem:$0x1CB80] =	vst v63  }
0xef: {  	s17 =	rddreg [dreg:$0x19]  }
0xf0: {  	[tilespmem:s26], [sflag:$0xA] =	stream.linear.gather [hbm4b:s17+s22], $0x40, $0x38;
	[tilespmem:$0x1CB80] =	vst v63  }
0xf1: {  	s18 =	rddreg [dreg:$0x1a]  }
0xf2: {  	[tilespmem:s0], [sflag:$0xA] =	stream.linear.gather [hbm4b:s18+s22], $0x40, $0x38;
	[tilespmem:$0x1CB80] =	vst v63  }
0xf3: {  	_ = 	snop  }
0xf4: {  	[tilespmem:s15], [sflag:$0x1] =	stream.indirect.gather [hbm4b:s1+s31], $0x80, s16, s31, $0xb8;
	[tilespmem:$0x1CB80] =	vst v63  }
0xf5: {  	s23 =	simm.s32 $0x142C0  }
0xf6: {  	[tilespmem:s29], [sflag:$0x2] =	stream.indirect.gather [hbm4b:s1+s31], $0x80, s23, s31, $0xb8;
	[tilespmem:$0x1CB80] =	vst v63  }
0xf7: {  	s30 =	simm.s32 $0x14700;
	s25 =	simm.s32 $0x14300;
	s4 =	simm.s32 $0x14800  }
0xf8: {  	[tilespmem:s8], [sflag:$0x3] =	stream.indirect.gather [hbm4b:s1+s31], $0x80, s25, s31, $0xb8;
	[tilespmem:$0x1CB80] =	vst v63  }
0xf9: {  	s26 =	simm.s32 $0x14340;
	s0 =	simm.s32 $0x14780;
	s29 =	simm.s32 $0x14680  }
0xfa: {  	[tilespmem:s13], [sflag:$0x4] =	stream.indirect.gather [hbm4b:s1+s31], $0x80, s26, s31, $0xb8;
	[tilespmem:$0x1CB80] =	vst v63  }
.LBB2_4:
0xfb: {  	_ =	swait.ge [sflag:s9], $0x2000  }
0xfc: {  	[sflag:s9] =	ssyncset.done $0x0  }
0xfd: {  	s6 =	simm.s32 $0x14480;
	[sflag:s9] =	ssyncadd.s32 $0xFFFFE000  }
0xfe: {  	[spmem:s2] =	stream.indirect.scatter.add.f32 [tilespmem:s15], [sflag:$0x5], $0x80, s6, s31, $0xb8;
	[tilespmem:$0x1CB80] =	vst v63  }
0xff: {  	_ =	swait.ge [sflag:s10], $0x2000  }
0x100: {  	[sflag:s10] =	ssyncset.done $0x0  }
0x101: {  	s16 =	simm.s32 $0x14500;
	s8 =	simm.s32 $0x16880;
	[sflag:s10] =	ssyncadd.s32 $0xFFFFE000  }
0x102: {  	[spmem:s2] =	stream.indirect.scatter.add.f32 [tilespmem:s8], [sflag:$0x6], $0x80, s16, s31, $0xb8;
	[tilespmem:$0x1CB80] =	vst v63  }
0x103: {  	_ =	swait.ge [sflag:s19], $0x2000  }
0x104: {  	[sflag:s19] =	ssyncset.done $0x0  }
0x105: {  	s17 =	simm.s32 $0x14580;
	s13 =	simm.s32 $0x18880;
	[sflag:s19] =	ssyncadd.s32 $0xFFFFE000  }
0x106: {  	[spmem:s2] =	stream.indirect.scatter.add.f32 [tilespmem:s13], [sflag:$0x7], $0x80, s17, s31, $0xb8;
	[tilespmem:$0x1CB80] =	vst v63  }
0x107: {  	_ =	swait.ge [sflag:s11], $0x2000  }
0x108: {  	[sflag:s11] =	ssyncset.done $0x0  }
0x109: {  	s18 =	simm.s32 $0x14600;
	[sflag:s11] =	ssyncadd.s32 $0xFFFFE000  }
0x10a: {  	[spmem:s2] =	stream.indirect.scatter.add.f32 [tilespmem:s7], [sflag:$0x8], $0x80, s18, s31, $0xb8;
	[tilespmem:$0x1CB80] =	vst v63  }
0x10b: {  	s23 =	simm.s32 @!p0 $0x14480;
	s6 =	simm.s32 @!p0 $0x40;
	s18 =	simm.s32 @!p0 $0x1C880  }
0x10c: {  	[spmem:s3] =	stream.indirect.scatter.add.f32 @!p0 [tilespmem:s18], [sflag:$0xB], $0x1, s23, s6, $0xb8;
	[tilespmem:$0x1CB80] =	vst v63  }
0x10d: {  	s23 =	simm.s32 @!p0 $0x14500  }
0x10e: {  	[spmem:s3] =	stream.indirect.scatter.add.f32 @!p0 [tilespmem:s18], [sflag:$0xB], $0x1, s23, s6, $0xb8;
	[tilespmem:$0x1CB80] =	vst v63  }
0x10f: {  	s23 =	simm.s32 @!p0 $0x14580  }
0x110: {  	[spmem:s3] =	stream.indirect.scatter.add.f32 @!p0 [tilespmem:s18], [sflag:$0xB], $0x1, s23, s6, $0xb8;
	[tilespmem:$0x1CB80] =	vst v63  }
0x111: {  	s23 =	simm.s32 @!p0 $0x14600  }
0x112: {  	[spmem:s3] =	stream.indirect.scatter.add.f32 @!p0 [tilespmem:s18], [sflag:$0xB], $0x1, s23, s6, $0xb8;
	[tilespmem:$0x1CB80] =	vst v63  }
0x113: {  	_ =	swait.ge [sflag:s12], $0x100  }
0x114: {  	[sflag:s12] =	ssyncset.done $0x0  }
0x115: {  	[sflag:s12] =	ssyncadd.s32 $0xFFFFFF00  }
0x116: {  	_ =	swait.ge [sflag:s12], $0x40  }
0x117: {  	[sflag:s12] =	ssyncset.done $0x0  }
0x118: {  	[sflag:s12] =	ssyncadd.s32 $0xFFFFFFC0  }
0x119: {  	_ =	swait.ge [sflag:s12], $0x40  }
0x11a: {  	[sflag:s12] =	ssyncset.done $0x0  }
0x11b: {  	[sflag:s12] =	ssyncadd.s32 $0xFFFFFFC0  }
0x11c: {  	_ =	swait.ge [sflag:s12], $0x40  }
0x11d: {  	[sflag:s12] =	ssyncset.done $0x0  }
0x11e: {  	[sflag:s12] =	ssyncadd.s32 $0xFFFFFFC0  }
0x11f: {  	_ =	swait.ge [sflag:s12], $0x40  }
0x120: {  	[sflag:s12] =	ssyncset.done $0x0  }
0x121: {  	s16 =	simm.s32 $0x5;
	[sflag:s12] =	ssyncadd.s32 $0xFFFFFFC0  }
0x122: {  	_ =	swait.ge [sflag:s16], $0x2000  }
0x123: {  	[sflag:s16] =	ssyncset.done $0x0  }
0x124: {  	[sflag:s16] =	ssyncadd.s32 $0xFFFFE000  }
0x125: {  	[tilespmem:s15], [sflag:$0x1] =	stream.indirect.gather [hbm4b:s1+s31], $0x80, s21, s31, $0xb8;
	[tilespmem:$0x1CB80] =	vst v63  }
0x126: {  	s21 =	simm.s32 $0x6  }
0x127: {  	_ =	swait.ge [sflag:s21], $0x2000  }
0x128: {  	[sflag:s21] =	ssyncset.done $0x0  }
0x129: {  	s23 =	simm.s32 $0x143C0;
	[sflag:s21] =	ssyncadd.s32 $0xFFFFE000  }
0x12a: {  	[tilespmem:s8], [sflag:$0x2] =	stream.indirect.gather [hbm4b:s1+s31], $0x80, s23, s31, $0xb8;
	[tilespmem:$0x1CB80] =	vst v63  }
0x12b: {  	_ =	swait.ge [sflag:s24], $0x2000  }
0x12c: {  	[sflag:s24] =	ssyncset.done $0x0  }
0x12d: {  	s25 =	simm.s32 $0x14400;
	[sflag:s24] =	ssyncadd.s32 $0xFFFFE000  }
0x12e: {  	[tilespmem:s13], [sflag:$0x3] =	stream.indirect.gather [hbm4b:s1+s31], $0x80, s25, s31, $0xb8;
	[tilespmem:$0x1CB80] =	vst v63  }
0x12f: {  	_ =	swait.ge [sflag:s20], $0x2000  }
0x130: {  	[sflag:s20] =	ssyncset.done $0x0  }
0x131: {  	s26 =	simm.s32 $0x14440;
	s23 =	simm.s32 @!p0 $0xB;
	[sflag:s20] =	ssyncadd.s32 $0xFFFFE000  }
0x132: {  	[tilespmem:s7], [sflag:$0x4] =	stream.indirect.gather [hbm4b:s1+s31], $0x80, s26, s31, $0xb8;
	[tilespmem:$0x1CB80] =	vst v63  }
0x133: {  	_ =	swait.ge @!p0 [sflag:s23], $0x40  }
0x134: {  	[sflag:s23] =	ssyncset.done @!p0 $0x0  }
0x135: {  	[sflag:s23] =	ssyncadd.s32 @!p0 $0xFFFFFFC0  }
0x136: {  	_ =	swait.ge @!p0 [sflag:s23], $0x40  }
0x137: {  	[sflag:s23] =	ssyncset.done @!p0 $0x0  }
0x138: {  	[sflag:s23] =	ssyncadd.s32 @!p0 $0xFFFFFFC0  }
0x139: {  	_ =	swait.ge @!p0 [sflag:s23], $0x40  }
0x13a: {  	[sflag:s23] =	ssyncset.done @!p0 $0x0  }
0x13b: {  	[sflag:s23] =	ssyncadd.s32 @!p0 $0xFFFFFFC0  }
0x13c: {  	p4 =	seq.s32 s22, $0x4C0;
	_ =	swait.ge @!p0 [sflag:s23], $0x40  }
0x13d: {  	s17 =	simm.s32 @!p4 $0x14280;
	[sflag:s23] =	ssyncset.done @!p0 $0x0;
	s16 =	rddreg [dreg:$0xf]  }
0x13e: {  	[sflag:s23] =	ssyncadd.s32 @!p0 $0xFFFFFFC0;
	s21 =	sadd.s32 @!p4 s22, s16;
	s16 =	simm.s32 @!p4 $0x0  }
0x13f: {  	[tilespmem:s17], [sflag:$0x9] =	stream.linear.gather @!p4 [hbm4b:s21+s16], $0x100, $0x38;
	[tilespmem:$0x1CB80] =	vst v63  }
0x140: {  	s21 =	sadd.s32 @!p4 s22, s14  }
0x141: {  	s26 =	simm.s32 @!p4 $0x14480;
	s25 =	sadd.s32 @!p4 $0x40, s21  }
0x142: {  	[tilespmem:s26], [sflag:$0x9] =	stream.linear.gather @!p4 [hbm4b:s25+s16], $0x40, $0x38;
	[tilespmem:$0x1CB80] =	vst v63  }
0x143: {  	s25 =	sadd.s32 @!p4 $0x48, s21;
	s26 =	simm.s32 @!p4 $0x14500  }
0x144: {  	[tilespmem:s26], [sflag:$0x9] =	stream.linear.gather @!p4 [hbm4b:s25+s16], $0x40, $0x38;
	[tilespmem:$0x1CB80] =	vst v63  }
0x145: {  	s25 =	sadd.s32 @!p4 $0x50, s21;
	s26 =	simm.s32 @!p4 $0x14580  }
0x146: {  	[tilespmem:s26], [sflag:$0x9] =	stream.linear.gather @!p4 [hbm4b:s25+s16], $0x40, $0x38;
	[tilespmem:$0x1CB80] =	vst v63  }
0x147: {  	s21 =	sadd.s32 @!p4 $0x58, s21;
	s25 =	simm.s32 @!p4 $0x14600  }
0x148: {  	[tilespmem:s25], [sflag:$0x9] =	stream.linear.gather @!p4 [hbm4b:s21+s16], $0x40, $0x38;
	[tilespmem:$0x1CB80] =	vst v63  }
0x149: {  	_ =	swait.ge [sflag:s9], $0x2000  }
0x14a: {  	[sflag:s9] =	ssyncset.done $0x0  }
0x14b: {  	[sflag:s9] =	ssyncadd.s32 $0xFFFFE000  }
0x14c: {  	[spmem:s2] =	stream.indirect.scatter.add.f32 [tilespmem:s15], [sflag:$0x5], $0x80, s29, s31, $0xb8;
	[tilespmem:$0x1CB80] =	vst v63  }
0x14d: {  	_ =	swait.ge [sflag:s10], $0x2000  }
0x14e: {  	[sflag:s10] =	ssyncset.done $0x0  }
0x14f: {  	[sflag:s10] =	ssyncadd.s32 $0xFFFFE000  }
0x150: {  	[spmem:s2] =	stream.indirect.scatter.add.f32 [tilespmem:s8], [sflag:$0x6], $0x80, s30, s31, $0xb8;
	[tilespmem:$0x1CB80] =	vst v63  }
0x151: {  	_ =	swait.ge [sflag:s19], $0x2000  }
0x152: {  	[sflag:s19] =	ssyncset.done $0x0  }
0x153: {  	[sflag:s19] =	ssyncadd.s32 $0xFFFFE000  }
0x154: {  	[spmem:s2] =	stream.indirect.scatter.add.f32 [tilespmem:s13], [sflag:$0x7], $0x80, s0, s31, $0xb8;
	[tilespmem:$0x1CB80] =	vst v63  }
0x155: {  	_ =	swait.ge [sflag:s11], $0x2000  }
0x156: {  	[sflag:s11] =	ssyncset.done $0x0  }
0x157: {  	[sflag:s11] =	ssyncadd.s32 $0xFFFFE000  }
0x158: {  	[spmem:s2] =	stream.indirect.scatter.add.f32 [tilespmem:s7], [sflag:$0x8], $0x80, s4, s31, $0xb8;
	[tilespmem:$0x1CB80] =	vst v63  }
0x159: {  	s16 =	simm.s32 @!p0 $0x14680  }
0x15a: {  	[spmem:s3] =	stream.indirect.scatter.add.f32 @!p0 [tilespmem:s18], [sflag:$0xB], $0x1, s16, s6, $0xb8;
	[tilespmem:$0x1CB80] =	vst v63  }
0x15b: {  	s16 =	simm.s32 @!p0 $0x14700  }
0x15c: {  	[spmem:s3] =	stream.indirect.scatter.add.f32 @!p0 [tilespmem:s18], [sflag:$0xB], $0x1, s16, s6, $0xb8;
	[tilespmem:$0x1CB80] =	vst v63  }
0x15d: {  	s16 =	simm.s32 @!p0 $0x14780  }
0x15e: {  	[spmem:s3] =	stream.indirect.scatter.add.f32 @!p0 [tilespmem:s18], [sflag:$0xB], $0x1, s16, s6, $0xb8;
	[tilespmem:$0x1CB80] =	vst v63  }
0x15f: {  	s16 =	simm.s32 @!p0 $0x14800  }
0x160: {  	[spmem:s3] =	stream.indirect.scatter.add.f32 @!p0 [tilespmem:s18], [sflag:$0xB], $0x1, s16, s6, $0xb8;
	[tilespmem:$0x1CB80] =	vst v63  }
0x161: {  	s6 =	simm.s32 @!p4 $0x9  }
0x162: {  	_ =	swait.ge @!p4 [sflag:s6], $0x100  }
0x163: {  	[sflag:s6] =	ssyncset.done @!p4 $0x0  }
0x164: {  	[sflag:s6] =	ssyncadd.s32 @!p4 $0xFFFFFF00  }
0x165: {  	_ =	swait.ge @!p4 [sflag:s6], $0x40  }
0x166: {  	[sflag:s6] =	ssyncset.done @!p4 $0x0  }
0x167: {  	[sflag:s6] =	ssyncadd.s32 @!p4 $0xFFFFFFC0  }
0x168: {  	_ =	swait.ge @!p4 [sflag:s6], $0x40  }
0x169: {  	[sflag:s6] =	ssyncset.done @!p4 $0x0  }
0x16a: {  	[sflag:s6] =	ssyncadd.s32 @!p4 $0xFFFFFFC0  }
0x16b: {  	_ =	swait.ge @!p4 [sflag:s6], $0x40  }
0x16c: {  	[sflag:s6] =	ssyncset.done @!p4 $0x0  }
0x16d: {  	[sflag:s6] =	ssyncadd.s32 @!p4 $0xFFFFFFC0  }
0x16e: {  	_ =	swait.ge @!p4 [sflag:s6], $0x40  }
0x16f: {  	[sflag:s6] =	ssyncset.done @!p4 $0x0  }
0x170: {  	[sflag:s6] =	ssyncadd.s32 @!p4 $0xFFFFFFC0;
	s6 =	simm.s32 @!p4 $0x5  }
0x171: {  	_ =	swait.ge @!p4 [sflag:s6], $0x2000  }
0x172: {  	[sflag:s6] =	ssyncset.done @!p4 $0x0  }
0x173: {  	s16 =	simm.s32 @!p4 $0x14880;
	[sflag:s6] =	ssyncadd.s32 @!p4 $0xFFFFE000;
	s6 =	simm.s32 @!p4 $0x40  }
0x174: {  	[tilespmem:s16], [sflag:$0x1] =	stream.indirect.gather @!p4 [hbm4b:s1+s6], $0x80, s17, s6, $0xb8;
	[tilespmem:$0x1CB80] =	vst v63  }
0x175: {  	s16 =	simm.s32 @!p4 $0x6  }
0x176: {  	_ =	swait.ge @!p4 [sflag:s16], $0x2000  }
0x177: {  	[sflag:s16] =	ssyncset.done @!p4 $0x0  }
0x178: {  	s17 =	simm.s32 @!p4 $0x16880;
	[sflag:s16] =	ssyncadd.s32 @!p4 $0xFFFFE000;
	s16 =	simm.s32 @!p4 $0x142C0  }
0x179: {  	[tilespmem:s17], [sflag:$0x2] =	stream.indirect.gather @!p4 [hbm4b:s1+s6], $0x80, s16, s6, $0xb8;
	[tilespmem:$0x1CB80] =	vst v63  }
0x17a: {  	s16 =	simm.s32 @!p4 $0x7  }
0x17b: {  	_ =	swait.ge @!p4 [sflag:s16], $0x2000  }
0x17c: {  	[sflag:s16] =	ssyncset.done @!p4 $0x0  }
0x17d: {  	s17 =	simm.s32 @!p4 $0x18880;
	[sflag:s16] =	ssyncadd.s32 @!p4 $0xFFFFE000;
	s16 =	simm.s32 @!p4 $0x14300  }
0x17e: {  	[tilespmem:s17], [sflag:$0x3] =	stream.indirect.gather @!p4 [hbm4b:s1+s6], $0x80, s16, s6, $0xb8;
	[tilespmem:$0x1CB80] =	vst v63  }
0x17f: {  	s16 =	simm.s32 @!p4 $0x8  }
0x180: {  	_ =	swait.ge @!p4 [sflag:s16], $0x2000  }
0x181: {  	[sflag:s16] =	ssyncset.done @!p4 $0x0  }
0x182: {  	s17 =	simm.s32 @!p4 $0x1A880;
	[sflag:s16] =	ssyncadd.s32 @!p4 $0xFFFFE000;
	s16 =	simm.s32 @!p4 $0x14340  }
0x183: {  	[tilespmem:s17], [sflag:$0x4] =	stream.indirect.gather @!p4 [hbm4b:s1+s6], $0x80, s16, s6, $0xb8;
	[tilespmem:$0x1CB80] =	vst v63  }
0x184: {  	_ =	swait.ge @!p0 [sflag:s23], $0x40  }
0x185: {  	[sflag:s23] =	ssyncset.done @!p0 $0x0  }
0x186: {  	[sflag:s23] =	ssyncadd.s32 @!p0 $0xFFFFFFC0  }
0x187: {  	_ =	swait.ge @!p0 [sflag:s23], $0x40  }
0x188: {  	[sflag:s23] =	ssyncset.done @!p0 $0x0  }
0x189: {  	[sflag:s23] =	ssyncadd.s32 @!p0 $0xFFFFFFC0  }
0x18a: {  	_ =	swait.ge @!p0 [sflag:s23], $0x40  }
.Ltmp3:
0x18b: {  	[sflag:s23] =	ssyncset.done @!p0 $0x0;
	(pc) =	sbr.rel @p4 .LBB2_6-.Ltmp3, $4  }
0x18c: {  	s26 =	simm.s32 $0x14780;
	[sflag:s23] =	ssyncadd.s32 @!p0 $0xFFFFFFC0  }
0x18d: {  	s25 =	simm.s32 $0x14700;
	s29 =	simm.s32 $0x16880;
	_ =	swait.ge @!p0 [sflag:s23], $0x40  }
0x18e: {  	s8 =	simm.s32 $0x18880;
	s13 =	simm.s32 $0x1A880;
	[sflag:s23] =	ssyncset.done @!p0 $0x0  }
0x18f: {  	s0 =	simm.s32 $0x14800;
	[sflag:s23] =	ssyncadd.s32 @!p0 $0xFFFFFFC0;
	s23 =	simm.s32 $0x14680  }
0x190: {  	s6 =	rddreg [dreg:$0xe]  }
0x191: {  	s21 =	sadd.s32 s22, s14;
	s6 =	sadd.s32 s22, s6  }
0x192: {  	[tilespmem:s28], [sflag:$0xA] =	stream.linear.gather [hbm4b:s6+s5], $0x100, $0x38;
	[tilespmem:$0x1CB80] =	vst v63  }
0x193: {  	s16 =	sadd.s32 $0x60, s21  }
0x194: {  	[tilespmem:s23], [sflag:$0xA] =	stream.linear.gather [hbm4b:s16+s5], $0x40, $0x38;
	[tilespmem:$0x1CB80] =	vst v63  }
0x195: {  	s23 =	sadd.s32 $0x68, s21  }
0x196: {  	[tilespmem:s25], [sflag:$0xA] =	stream.linear.gather [hbm4b:s23+s5], $0x40, $0x38;
	[tilespmem:$0x1CB80] =	vst v63  }
.Ltmp4:
0x197: {  	s29 =	simm.s32 $0x14680;
	s25 =	sadd.s32 $0x70, s21;
	(pc) =	sbr.rel .LBB2_4-.Ltmp4, $4  }
0x198: {  	[tilespmem:s26], [sflag:$0xA] =	stream.linear.gather [hbm4b:s25+s5], $0x40, $0x38;
	[tilespmem:$0x1CB80] =	vst v63  }
0x199: {  	s30 =	simm.s32 $0x14700;
	s4 =	simm.s32 $0x14800;
	s6 =	sadd.s32 $0x78, s21  }
0x19a: {  	[tilespmem:s0], [sflag:$0xA] =	stream.linear.gather [hbm4b:s6+s5], $0x40, $0x38;
	[tilespmem:$0x1CB80] =	vst v63  }
0x19b: {  	s22 =	sadd.s32 $0x40, s22;
	s21 =	simm.s32 $0x14380;
	s0 =	simm.s32 $0x14780  }
.LBB2_7:
0x19c: {  	_ =	sfence.sel $0x180000  }
0x19d: {  	[bflag:$0x0] =	sbarrier.arrive $0xFFFF  }
0x19e: {  	_ =	strace $0x90000047  }
0x19f: {  	s0 =	stileid.u32;
	[bflag:$0x2] =	sbarrier.arrive $0xFFFF  }
0x1a0: {  	p0 =	sne.s32 s0, $0x0;
	s0 =	rddreg [dreg:$0x4]  }
0x1a1: {  	s0 =	sadd.s32 @!p0 $0x100000, s0  }
0x1a2: {  	[sflag:s0] =	ssyncadd.tile.s32 @!p0 $0x1;
	_ =	shalt  }
.Lfunc_end2:
_tile_overlayer_lowered:
.L_overlay_start_2:
0x1a3: {  	(tag) =	ssettag $0x2  }
0x1a4: {  	s0 =	rddreg [dreg:$0x0];
	s2 =	stileid.u32  }
0x1a5: {  	s1 =	rddreg [dreg:$0x1];
	p0 =	sne.s32 s2, $0x0  }
0x1a6: {  	s3 =	rddreg [dreg:$0x2];
	[bflag:$0x3] =	sbarrier.arrive $0xFFFF;
	s2 =	simm.s32 @!p0 $0x1C0C  }
0x1a7: {  	[timem:s3], [sflag:s2] =	dma.local @!p0 [hbm:s0], s1  }
0x1a8: {  	s0 =	simm.s32 @!p0 $0xC  }
0x1a9: {  	_ =	swait.ge @!p0 [sflag:s0], s1  }
0x1aa: {  	s1 =	ssub.s32 @!p0 $0x0, s1;
	[sflag:s0] =	ssyncset.done @!p0 $0x0  }
0x1ab: {  	[sflag:s0] =	ssyncadd.s32 @!p0 s1  }
0x1ac: {  	[bflag:$0x3] =	sbarrier.arrive $0xFFFF  }
0x1ad: {  	_ =	shalt  }

</sc_bundles>
